<compile_context>
chip_gen: v7x
topology: tpu7x:2x2x1
jax: 0.10.2.dev20260603
libtpu: 0.0.44.dev20260713+nightly
codegen_flags: <defaults>
</compile_context>

<pallas_src>
import functools
import math

import jax
import jax.numpy as jnp
from jax import lax
from jax.experimental import pallas as pl
from jax.experimental.pallas import tpu as pltpu
from jax.experimental.pallas import tpu_sc as plsc

VOCAB_N = 1000000
D = 64
SCALE = math.sqrt(D)

NUM_CORES = 2
NUM_SUBCORES = 16
NW = NUM_CORES * NUM_SUBCORES

TOTAL = 4096 * 200
PER_W = TOTAL // NW
CHUNK = 512
K = CHUNK // 128
N_CHUNKS = PER_W // CHUNK


def _body(x_hbm, table_hbm, out_hbm,
          idx0, idx1, rows0, rows1, gsem0, gsem1, ssem0, ssem1):
    wid = lax.axis_index("s") * NUM_CORES + lax.axis_index("c")
    chunk0 = wid * N_CHUNKS
    out0 = wid * PER_W

    idx = (idx0, idx1)
    rows = (rows0, rows1)
    gsem = (gsem0, gsem1)
    ssem = (ssem0, ssem1)

    def fire_gather(g, b):
        pltpu.sync_copy(x_hbm.at[chunk0 + g], idx[b])
        for j in range(K):
            pltpu.async_copy(
                table_hbm.at[idx[b].at[j]],
                rows[b].at[pl.ds(j * 128, 128)],
                gsem[b],
            )

    def wait_gather(b):
        for j in range(K):
            pltpu.make_async_copy(
                table_hbm.at[idx[b].at[j]],
                rows[b].at[pl.ds(j * 128, 128)],
                gsem[b],
            ).wait()

    def out_slice(g):
        return out_hbm.at[pl.ds(out0 + g * CHUNK, CHUNK)]

    def scale_buf(b):
        def scale_row(i, c):
            for j in range(D // 16):
                sl = pl.ds(j * 16, 16)
                rows[b][i, sl] = rows[b][i, sl] * SCALE
            return c
        lax.fori_loop(0, CHUNK, scale_row, 0, unroll=8)

    def step(g, b):
        @pl.when(g > 0)
        def _():
            pltpu.make_async_copy(rows[1 - b], out_slice(g - 1), ssem[1 - b]).wait()

        @pl.when(g + 1 < N_CHUNKS)
        def _():
            fire_gather(g + 1, 1 - b)

        wait_gather(b)
        scale_buf(b)
        pltpu.async_copy(rows[b], out_slice(g), ssem[b])

    fire_gather(0, 0)

    def loop_body(i, c):
        step(2 * i, 0)
        step(2 * i + 1, 1)
        return c

    lax.fori_loop(0, N_CHUNKS // 2, loop_body, 0)

    pltpu.make_async_copy(rows[1], out_slice(N_CHUNKS - 1), ssem[1]).wait()


@functools.partial(jax.jit, donate_argnums=())
def kernel(x, table):
    x2 = x.reshape(NW * N_CHUNKS, K, 128).astype(jnp.int32)
    mesh = plsc.VectorSubcoreMesh(
        core_axis_name="c", subcore_axis_name="s",
        num_cores=NUM_CORES, num_subcores=NUM_SUBCORES,
    )
    run = pl.kernel(
        _body,
        out_type=jax.ShapeDtypeStruct((TOTAL, D), jnp.float32),
        mesh=mesh,
        scratch_types=[
            pltpu.VMEM((K, 128), jnp.int32),
            pltpu.VMEM((K, 128), jnp.int32),
            pltpu.VMEM((CHUNK, D), jnp.float32),
            pltpu.VMEM((CHUNK, D), jnp.float32),
            pltpu.SemaphoreType.DMA,
            pltpu.SemaphoreType.DMA,
            pltpu.SemaphoreType.DMA,
            pltpu.SemaphoreType.DMA,
        ],
        compiler_params=pltpu.CompilerParams(use_tc_tiling_on_sc=False),
    )
    out = run(x2, table)
    return out.reshape(x.shape[0], x.shape[1], D)

# --- scband reference (transcript-rebuilt; emitter-appended) ---
"""Pipeline reference for scband-embed-64476049048143 (READ-ONLY COPY).

The authoritative reference and input builder live on the scoring server;
editing this copy changes nothing except your own understanding.
"""

import jax, jax.numpy as jnp
import numpy as np
import math

VOCAB_N = 1000000
D = 64

def setup_inputs(seed: int = 0) -> dict:
    key = jax.random.key(seed)
    k_idx, k_tab = jax.random.split(key)
    x = jax.random.randint(k_idx, (4096, 200), 0, VOCAB_N, dtype=jnp.int64 if jax.config.jax_enable_x64 else jnp.int32)
    # nn.Embedding default init: N(0, 1)
    table = jax.random.normal(k_tab, (VOCAB_N, D), dtype=jnp.float32)
    return {"x": x, "table": table}

def reference(x, table):
    # Embed.forward: self.embed(x) * sqrt(d_model)
    emb = jnp.take(table, x, axis=0)
    return emb * math.sqrt(D)

if __name__ == "__main__":
    import jax
    _d = setup_inputs()
    print(jax.jit(kernel)(*tuple(_d.values())))

</pallas_src>

<mosaic_0001>
#map = affine_map<(d0, d1) -> (0, 0, 0)>
#map1 = affine_map<(d0, d1) -> (0, 0)>
module attributes {stable_mosaic.version = 14 : i64} {
  func.func @_body(%arg0: i32, %arg1: i32, %arg2: memref<1600x4x128xi32, #tpu.memory_space<hbm>>, %arg3: memref<1000000x64xf32, #tpu.memory_space<hbm>>, %arg4: memref<819200x64xf32, #tpu.memory_space<hbm>>, %arg5: memref<4x128xi32, #tpu.memory_space<vmem>>, %arg6: memref<4x128xi32, #tpu.memory_space<vmem>>, %arg7: memref<512x64xf32, #tpu.memory_space<vmem>>, %arg8: memref<512x64xf32, #tpu.memory_space<vmem>>, %arg9: memref<!tpu.dma_semaphore, #tpu.memory_space<semaphore_mem>>, %arg10: memref<!tpu.dma_semaphore, #tpu.memory_space<semaphore_mem>>, %arg11: memref<!tpu.dma_semaphore, #tpu.memory_space<semaphore_mem>>, %arg12: memref<!tpu.dma_semaphore, #tpu.memory_space<semaphore_mem>>) attributes {dimension_semantics = [#tpu.dimension_semantics<core_parallel>, #tpu.dimension_semantics<subcore_parallel>], iteration_bounds = array<i64: 2, 16>, scalar_prefetch = 0 : i64, scratch_operands = 8 : i64, tpu.core_type = #tpu.core_type<sc_vector_subcore>, window_params = [{transform_indices = #map}, {transform_indices = #map1}, {transform_indices = #map1}]} {
    %mul3A = arith.constant 2 : i32
    %mul3A_0 = arith.muli %arg1, %mul3A : i32
    %add3A = arith.addi %mul3A_0, %arg0 : i32
    %mul3A_1 = arith.constant 50 : i32
    %mul3A_2 = arith.muli %add3A, %mul3A_1 : i32
    %mul3A_3 = arith.constant 25600 : i32
    %mul3A_4 = arith.muli %add3A, %mul3A_3 : i32
    %add3A_5 = arith.constant 0 : i32
    %add3A_6 = arith.addi %mul3A_2, %add3A_5 : i32
    "tpu.region"() ({
      %run_scoped3A = tpu.sem_alloc : memref<!tpu.dma_semaphore, #tpu.memory_space<semaphore_mem>>
      %dma_start3A_56 = arith.constant 0 : i32
      %dma_start3A_57 = arith.constant 0 : i32
      %dma_start3A_58 = tpu.memref_slice %arg2[%add3A_6, %dma_start3A_56, %dma_start3A_57] : memref<1600x4x128xi32, #tpu.memory_space<hbm>> -> memref<1x4x128xi32, #tpu.memory_space<hbm>>
      %dma_start3A_59 = tpu.memref_squeeze %dma_start3A_58 : memref<1x4x128xi32, #tpu.memory_space<hbm>> -> memref<4x128xi32, #tpu.memory_space<hbm>>
      %dma_start3A_60 = arith.constant 0 : i32
      %dma_start3A_61 = arith.constant 0 : i32
      %dma_start3A_62 = tpu.memref_slice %arg2[%add3A_6, %dma_start3A_60, %dma_start3A_61] : memref<1600x4x128xi32, #tpu.memory_space<hbm>> -> memref<1x4x128xi32, #tpu.memory_space<hbm>>
      %dma_start3A_63 = tpu.memref_squeeze %dma_start3A_62 : memref<1x4x128xi32, #tpu.memory_space<hbm>> -> memref<4x128xi32, #tpu.memory_space<hbm>>
      tpu.enqueue_dma source(%dma_start3A_63 : memref<4x128xi32, #tpu.memory_space<hbm>>) target(%arg5 : memref<4x128xi32, #tpu.memory_space<vmem>>) target_semaphore(%run_scoped3A : memref<!tpu.dma_semaphore, #tpu.memory_space<semaphore_mem>>)
      %dma_wait3A_64 = arith.constant 0 : i32
      %dma_wait3A_65 = arith.constant 0 : i32
      %dma_wait3A_66 = tpu.memref_slice %arg2[%add3A_6, %dma_wait3A_64, %dma_wait3A_65] : memref<1600x4x128xi32, #tpu.memory_space<hbm>> -> memref<1x4x128xi32, #tpu.memory_space<hbm>>
      %dma_wait3A_67 = tpu.memref_squeeze %dma_wait3A_66 : memref<1x4x128xi32, #tpu.memory_space<hbm>> -> memref<4x128xi32, #tpu.memory_space<hbm>>
      %dma_wait3A_68 = arith.constant 0 : i32
      %dma_wait3A_69 = arith.constant 0 : i32
      %dma_wait3A_70 = tpu.memref_slice %arg2[%add3A_6, %dma_wait3A_68, %dma_wait3A_69] : memref<1600x4x128xi32, #tpu.memory_space<hbm>> -> memref<1x4x128xi32, #tpu.memory_space<hbm>>
      %dma_wait3A_71 = tpu.memref_squeeze %dma_wait3A_70 : memref<1x4x128xi32, #tpu.memory_space<hbm>> -> memref<4x128xi32, #tpu.memory_space<hbm>>
      tpu.wait_dma2 semaphore(%run_scoped3A : memref<!tpu.dma_semaphore, #tpu.memory_space<semaphore_mem>>) src(%dma_wait3A_71 : memref<4x128xi32, #tpu.memory_space<hbm>>) dst(%arg5 : memref<4x128xi32, #tpu.memory_space<vmem>>)
      tpu.yield
    }) : () -> ()
    %dma_start3A = arith.constant 0 : i32
    %dma_start3A_7 = arith.constant 0 : i32
    %dma_start3A_8 = arith.constant 0 : i32
    %dma_start3A_9 = tpu.memref_slice %arg7[%dma_start3A_7, %dma_start3A_8] : memref<512x64xf32, #tpu.memory_space<vmem>> -> memref<128x64xf32, #tpu.memory_space<vmem>>
    %dma_start3A_10 = arith.constant 0 : i32
    %dma_start3A_11 = tpu.memref_slice %arg5[%dma_start3A, %dma_start3A_10] : memref<4x128xi32, #tpu.memory_space<vmem>> -> memref<1x128xi32, #tpu.memory_space<vmem>>
    %dma_start3A_12 = tpu.memref_squeeze %dma_start3A_11 : memref<1x128xi32, #tpu.memory_space<vmem>> -> memref<128xi32, #tpu.memory_space<vmem>>
    %dma_start3A_13 = arith.constant 0 : i32
    %dma_start3A_14 = arith.constant 0 : i32
    %dma_start3A_15 = tpu.memref_slice %arg3[%dma_start3A_13, %dma_start3A_14] : memref<1000000x64xf32, #tpu.memory_space<hbm>> -> memref<1000000x64xf32, #tpu.memory_space<hbm>>
    tpu.enqueue_indirect_dma source(%dma_start3A_15 : memref<1000000x64xf32, #tpu.memory_space<hbm>>) target(%dma_start3A_9 : memref<128x64xf32, #tpu.memory_space<vmem>>) offsets(%dma_start3A_12 : memref<128xi32, #tpu.memory_space<vmem>>) semaphore(%arg9 : memref<!tpu.dma_semaphore, #tpu.memory_space<semaphore_mem>>)
    %dma_start3A_16 = arith.constant 1 : i32
    %dma_start3A_17 = arith.constant 128 : i32
    %dma_start3A_18 = arith.constant 0 : i32
    %dma_start3A_19 = tpu.memref_slice %arg7[%dma_start3A_17, %dma_start3A_18] : memref<512x64xf32, #tpu.memory_space<vmem>> -> memref<128x64xf32, #tpu.memory_space<vmem>>
    %dma_start3A_20 = arith.constant 0 : i32
    %dma_start3A_21 = tpu.memref_slice %arg5[%dma_start3A_16, %dma_start3A_20] : memref<4x128xi32, #tpu.memory_space<vmem>> -> memref<1x128xi32, #tpu.memory_space<vmem>>
    %dma_start3A_22 = tpu.memref_squeeze %dma_start3A_21 : memref<1x128xi32, #tpu.memory_space<vmem>> -> memref<128xi32, #tpu.memory_space<vmem>>
    %dma_start3A_23 = arith.constant 0 : i32
    %dma_start3A_24 = arith.constant 0 : i32
    %dma_start3A_25 = tpu.memref_slice %arg3[%dma_start3A_23, %dma_start3A_24] : memref<1000000x64xf32, #tpu.memory_space<hbm>> -> memref<1000000x64xf32, #tpu.memory_space<hbm>>
    tpu.enqueue_indirect_dma source(%dma_start3A_25 : memref<1000000x64xf32, #tpu.memory_space<hbm>>) target(%dma_start3A_19 : memref<128x64xf32, #tpu.memory_space<vmem>>) offsets(%dma_start3A_22 : memref<128xi32, #tpu.memory_space<vmem>>) semaphore(%arg9 : memref<!tpu.dma_semaphore, #tpu.memory_space<semaphore_mem>>)
    %dma_start3A_26 = arith.constant 2 : i32
    %dma_start3A_27 = arith.constant 256 : i32
    %dma_start3A_28 = arith.constant 0 : i32
    %dma_start3A_29 = tpu.memref_slice %arg7[%dma_start3A_27, %dma_start3A_28] : memref<512x64xf32, #tpu.memory_space<vmem>> -> memref<128x64xf32, #tpu.memory_space<vmem>>
    %dma_start3A_30 = arith.constant 0 : i32
    %dma_start3A_31 = tpu.memref_slice %arg5[%dma_start3A_26, %dma_start3A_30] : memref<4x128xi32, #tpu.memory_space<vmem>> -> memref<1x128xi32, #tpu.memory_space<vmem>>
    %dma_start3A_32 = tpu.memref_squeeze %dma_start3A_31 : memref<1x128xi32, #tpu.memory_space<vmem>> -> memref<128xi32, #tpu.memory_space<vmem>>
    %dma_start3A_33 = arith.constant 0 : i32
    %dma_start3A_34 = arith.constant 0 : i32
    %dma_start3A_35 = tpu.memref_slice %arg3[%dma_start3A_33, %dma_start3A_34] : memref<1000000x64xf32, #tpu.memory_space<hbm>> -> memref<1000000x64xf32, #tpu.memory_space<hbm>>
    tpu.enqueue_indirect_dma source(%dma_start3A_35 : memref<1000000x64xf32, #tpu.memory_space<hbm>>) target(%dma_start3A_29 : memref<128x64xf32, #tpu.memory_space<vmem>>) offsets(%dma_start3A_32 : memref<128xi32, #tpu.memory_space<vmem>>) semaphore(%arg9 : memref<!tpu.dma_semaphore, #tpu.memory_space<semaphore_mem>>)
    %dma_start3A_36 = arith.constant 3 : i32
    %dma_start3A_37 = arith.constant 384 : i32
    %dma_start3A_38 = arith.constant 0 : i32
    %dma_start3A_39 = tpu.memref_slice %arg7[%dma_start3A_37, %dma_start3A_38] : memref<512x64xf32, #tpu.memory_space<vmem>> -> memref<128x64xf32, #tpu.memory_space<vmem>>
    %dma_start3A_40 = arith.constant 0 : i32
    %dma_start3A_41 = tpu.memref_slice %arg5[%dma_start3A_36, %dma_start3A_40] : memref<4x128xi32, #tpu.memory_space<vmem>> -> memref<1x128xi32, #tpu.memory_space<vmem>>
    %dma_start3A_42 = tpu.memref_squeeze %dma_start3A_41 : memref<1x128xi32, #tpu.memory_space<vmem>> -> memref<128xi32, #tpu.memory_space<vmem>>
    %dma_start3A_43 = arith.constant 0 : i32
    %dma_start3A_44 = arith.constant 0 : i32
    %dma_start3A_45 = tpu.memref_slice %arg3[%dma_start3A_43, %dma_start3A_44] : memref<1000000x64xf32, #tpu.memory_space<hbm>> -> memref<1000000x64xf32, #tpu.memory_space<hbm>>
    tpu.enqueue_indirect_dma source(%dma_start3A_45 : memref<1000000x64xf32, #tpu.memory_space<hbm>>) target(%dma_start3A_39 : memref<128x64xf32, #tpu.memory_space<vmem>>) offsets(%dma_start3A_42 : memref<128xi32, #tpu.memory_space<vmem>>) semaphore(%arg9 : memref<!tpu.dma_semaphore, #tpu.memory_space<semaphore_mem>>)
    %scan3A = arith.constant 0 : i32
    %scan3A_46 = arith.constant 0 : i32
    %scan3A_47 = arith.constant 25 : i32
    %scan3A_48 = arith.addi %scan3A_46, %scan3A_47 : i32
    %scan3A_49 = arith.constant 1 : i32
    scf.for %scan3A_56 = %scan3A_46 to %scan3A_48 step %scan3A_49  : i32 {
      %mul3A_57 = arith.constant 2 : i32
      %mul3A_58 = arith.muli %mul3A_57, %scan3A_56 : i32
      %gt3A = arith.constant 0 : i32
      %gt3A_59 = arith.cmpi sgt, %mul3A_58, %gt3A : i32
      %convert_element_type3A = arith.extui %gt3A_59 : i1 to i32
      %cond3A = arith.constant 0 : i32
      %cond3A_60 = arith.cmpi ne, %convert_element_type3A, %cond3A : i32
      scf.if %cond3A_60 {
        %sub3A = arith.constant 1 : i32
        %sub3A_189 = arith.subi %mul3A_58, %sub3A : i32
        %mul3A_190 = arith.constant 512 : i32
        %mul3A_191 = arith.muli %sub3A_189, %mul3A_190 : i32
        %add3A_192 = arith.addi %mul3A_4, %mul3A_191 : i32
        %dma_wait3A_193 = arith.constant 0 : i32
        %dma_wait3A_194 = tpu.memref_slice %arg4[%add3A_192, %dma_wait3A_193] : memref<819200x64xf32, #tpu.memory_space<hbm>> -> memref<512x64xf32, #tpu.memory_space<hbm>>
        %dma_wait3A_195 = arith.constant 0 : i32
        %dma_wait3A_196 = tpu.memref_slice %arg4[%add3A_192, %dma_wait3A_195] : memref<819200x64xf32, #tpu.memory_space<hbm>> -> memref<512x64xf32, #tpu.memory_space<hbm>>
        tpu.wait_dma2 semaphore(%arg12 : memref<!tpu.dma_semaphore, #tpu.memory_space<semaphore_mem>>) src(%arg8 : memref<512x64xf32, #tpu.memory_space<vmem>>) dst(%dma_wait3A_196 : memref<512x64xf32, #tpu.memory_space<hbm>>)
      } else {
      }
      %add3A_61 = arith.constant 1 : i32
      %add3A_62 = arith.addi %mul3A_58, %add3A_61 : i32
      %lt3A = arith.constant 50 : i32
      %lt3A_63 = arith.cmpi slt, %add3A_62, %lt3A : i32
      %convert_element_type3A_64 = arith.extui %lt3A_63 : i1 to i32
      %cond3A_65 = arith.constant 0 : i32
      %cond3A_66 = arith.cmpi ne, %convert_element_type3A_64, %cond3A_65 : i32
      scf.if %cond3A_66 {
        %add3A_189 = arith.constant 1 : i32
        %add3A_190 = arith.addi %mul3A_58, %add3A_189 : i32
        %add3A_191 = arith.addi %mul3A_2, %add3A_190 : i32
        "tpu.region"() ({
          %run_scoped3A = tpu.sem_alloc : memref<!tpu.dma_semaphore, #tpu.memory_space<semaphore_mem>>
          %dma_start3A_232 = arith.constant 0 : i32
          %dma_start3A_233 = arith.constant 0 : i32
          %dma_start3A_234 = tpu.memref_slice %arg2[%add3A_191, %dma_start3A_232, %dma_start3A_233] : memref<1600x4x128xi32, #tpu.memory_space<hbm>> -> memref<1x4x128xi32, #tpu.memory_space<hbm>>
          %dma_start3A_235 = tpu.memref_squeeze %dma_start3A_234 : memref<1x4x128xi32, #tpu.memory_space<hbm>> -> memref<4x128xi32, #tpu.memory_space<hbm>>
          %dma_start3A_236 = arith.constant 0 : i32
          %dma_start3A_237 = arith.constant 0 : i32
          %dma_start3A_238 = tpu.memref_slice %arg2[%add3A_191, %dma_start3A_236, %dma_start3A_237] : memref<1600x4x128xi32, #tpu.memory_space<hbm>> -> memref<1x4x128xi32, #tpu.memory_space<hbm>>
          %dma_start3A_239 = tpu.memref_squeeze %dma_start3A_238 : memref<1x4x128xi32, #tpu.memory_space<hbm>> -> memref<4x128xi32, #tpu.memory_space<hbm>>
          tpu.enqueue_dma source(%dma_start3A_239 : memref<4x128xi32, #tpu.memory_space<hbm>>) target(%arg6 : memref<4x128xi32, #tpu.memory_space<vmem>>) target_semaphore(%run_scoped3A : memref<!tpu.dma_semaphore, #tpu.memory_space<semaphore_mem>>)
          %dma_wait3A_240 = arith.constant 0 : i32
          %dma_wait3A_241 = arith.constant 0 : i32
          %dma_wait3A_242 = tpu.memref_slice %arg2[%add3A_191, %dma_wait3A_240, %dma_wait3A_241] : memref<1600x4x128xi32, #tpu.memory_space<hbm>> -> memref<1x4x128xi32, #tpu.memory_space<hbm>>
          %dma_wait3A_243 = tpu.memref_squeeze %dma_wait3A_242 : memref<1x4x128xi32, #tpu.memory_space<hbm>> -> memref<4x128xi32, #tpu.memory_space<hbm>>
          %dma_wait3A_244 = arith.constant 0 : i32
          %dma_wait3A_245 = arith.constant 0 : i32
          %dma_wait3A_246 = tpu.memref_slice %arg2[%add3A_191, %dma_wait3A_244, %dma_wait3A_245] : memref<1600x4x128xi32, #tpu.memory_space<hbm>> -> memref<1x4x128xi32, #tpu.memory_space<hbm>>
          %dma_wait3A_247 = tpu.memref_squeeze %dma_wait3A_246 : memref<1x4x128xi32, #tpu.memory_space<hbm>> -> memref<4x128xi32, #tpu.memory_space<hbm>>
          tpu.wait_dma2 semaphore(%run_scoped3A : memref<!tpu.dma_semaphore, #tpu.memory_space<semaphore_mem>>) src(%dma_wait3A_247 : memref<4x128xi32, #tpu.memory_space<hbm>>) dst(%arg6 : memref<4x128xi32, #tpu.memory_space<vmem>>)
          tpu.yield
        }) : () -> ()
        %dma_start3A_192 = arith.constant 0 : i32
        %dma_start3A_193 = arith.constant 0 : i32
        %dma_start3A_194 = arith.constant 0 : i32
        %dma_start3A_195 = tpu.memref_slice %arg8[%dma_start3A_193, %dma_start3A_194] : memref<512x64xf32, #tpu.memory_space<vmem>> -> memref<128x64xf32, #tpu.memory_space<vmem>>
        %dma_start3A_196 = arith.constant 0 : i32
        %dma_start3A_197 = tpu.memref_slice %arg6[%dma_start3A_192, %dma_start3A_196] : memref<4x128xi32, #tpu.memory_space<vmem>> -> memref<1x128xi32, #tpu.memory_space<vmem>>
        %dma_start3A_198 = tpu.memref_squeeze %dma_start3A_197 : memref<1x128xi32, #tpu.memory_space<vmem>> -> memref<128xi32, #tpu.memory_space<vmem>>
        %dma_start3A_199 = arith.constant 0 : i32
        %dma_start3A_200 = arith.constant 0 : i32
        %dma_start3A_201 = tpu.memref_slice %arg3[%dma_start3A_199, %dma_start3A_200] : memref<1000000x64xf32, #tpu.memory_space<hbm>> -> memref<1000000x64xf32, #tpu.memory_space<hbm>>
        tpu.enqueue_indirect_dma source(%dma_start3A_201 : memref<1000000x64xf32, #tpu.memory_space<hbm>>) target(%dma_start3A_195 : memref<128x64xf32, #tpu.memory_space<vmem>>) offsets(%dma_start3A_198 : memref<128xi32, #tpu.memory_space<vmem>>) semaphore(%arg10 : memref<!tpu.dma_semaphore, #tpu.memory_space<semaphore_mem>>)
        %dma_start3A_202 = arith.constant 1 : i32
        %dma_start3A_203 = arith.constant 128 : i32
        %dma_start3A_204 = arith.constant 0 : i32
        %dma_start3A_205 = tpu.memref_slice %arg8[%dma_start3A_203, %dma_start3A_204] : memref<512x64xf32, #tpu.memory_space<vmem>> -> memref<128x64xf32, #tpu.memory_space<vmem>>
        %dma_start3A_206 = arith.constant 0 : i32
        %dma_start3A_207 = tpu.memref_slice %arg6[%dma_start3A_202, %dma_start3A_206] : memref<4x128xi32, #tpu.memory_space<vmem>> -> memref<1x128xi32, #tpu.memory_space<vmem>>
        %dma_start3A_208 = tpu.memref_squeeze %dma_start3A_207 : memref<1x128xi32, #tpu.memory_space<vmem>> -> memref<128xi32, #tpu.memory_space<vmem>>
        %dma_start3A_209 = arith.constant 0 : i32
        %dma_start3A_210 = arith.constant 0 : i32
        %dma_start3A_211 = tpu.memref_slice %arg3[%dma_start3A_209, %dma_start3A_210] : memref<1000000x64xf32, #tpu.memory_space<hbm>> -> memref<1000000x64xf32, #tpu.memory_space<hbm>>
        tpu.enqueue_indirect_dma source(%dma_start3A_211 : memref<1000000x64xf32, #tpu.memory_space<hbm>>) target(%dma_start3A_205 : memref<128x64xf32, #tpu.memory_space<vmem>>) offsets(%dma_start3A_208 : memref<128xi32, #tpu.memory_space<vmem>>) semaphore(%arg10 : memref<!tpu.dma_semaphore, #tpu.memory_space<semaphore_mem>>)
        %dma_start3A_212 = arith.constant 2 : i32
        %dma_start3A_213 = arith.constant 256 : i32
        %dma_start3A_214 = arith.constant 0 : i32
        %dma_start3A_215 = tpu.memref_slice %arg8[%dma_start3A_213, %dma_start3A_214] : memref<512x64xf32, #tpu.memory_space<vmem>> -> memref<128x64xf32, #tpu.memory_space<vmem>>
        %dma_start3A_216 = arith.constant 0 : i32
        %dma_start3A_217 = tpu.memref_slice %arg6[%dma_start3A_212, %dma_start3A_216] : memref<4x128xi32, #tpu.memory_space<vmem>> -> memref<1x128xi32, #tpu.memory_space<vmem>>
        %dma_start3A_218 = tpu.memref_squeeze %dma_start3A_217 : memref<1x128xi32, #tpu.memory_space<vmem>> -> memref<128xi32, #tpu.memory_space<vmem>>
        %dma_start3A_219 = arith.constant 0 : i32
        %dma_start3A_220 = arith.constant 0 : i32
        %dma_start3A_221 = tpu.memref_slice %arg3[%dma_start3A_219, %dma_start3A_220] : memref<1000000x64xf32, #tpu.memory_space<hbm>> -> memref<1000000x64xf32, #tpu.memory_space<hbm>>
        tpu.enqueue_indirect_dma source(%dma_start3A_221 : memref<1000000x64xf32, #tpu.memory_space<hbm>>) target(%dma_start3A_215 : memref<128x64xf32, #tpu.memory_space<vmem>>) offsets(%dma_start3A_218 : memref<128xi32, #tpu.memory_space<vmem>>) semaphore(%arg10 : memref<!tpu.dma_semaphore, #tpu.memory_space<semaphore_mem>>)
        %dma_start3A_222 = arith.constant 3 : i32
        %dma_start3A_223 = arith.constant 384 : i32
        %dma_start3A_224 = arith.constant 0 : i32
        %dma_start3A_225 = tpu.memref_slice %arg8[%dma_start3A_223, %dma_start3A_224] : memref<512x64xf32, #tpu.memory_space<vmem>> -> memref<128x64xf32, #tpu.memory_space<vmem>>
        %dma_start3A_226 = arith.constant 0 : i32
        %dma_start3A_227 = tpu.memref_slice %arg6[%dma_start3A_222, %dma_start3A_226] : memref<4x128xi32, #tpu.memory_space<vmem>> -> memref<1x128xi32, #tpu.memory_space<vmem>>
        %dma_start3A_228 = tpu.memref_squeeze %dma_start3A_227 : memref<1x128xi32, #tpu.memory_space<vmem>> -> memref<128xi32, #tpu.memory_space<vmem>>
        %dma_start3A_229 = arith.constant 0 : i32
        %dma_start3A_230 = arith.constant 0 : i32
        %dma_start3A_231 = tpu.memref_slice %arg3[%dma_start3A_229, %dma_start3A_230] : memref<1000000x64xf32, #tpu.memory_space<hbm>> -> memref<1000000x64xf32, #tpu.memory_space<hbm>>
        tpu.enqueue_indirect_dma source(%dma_start3A_231 : memref<1000000x64xf32, #tpu.memory_space<hbm>>) target(%dma_start3A_225 : memref<128x64xf32, #tpu.memory_space<vmem>>) offsets(%dma_start3A_228 : memref<128xi32, #tpu.memory_space<vmem>>) semaphore(%arg10 : memref<!tpu.dma_semaphore, #tpu.memory_space<semaphore_mem>>)
      } else {
      }
      %dma_wait3A_67 = arith.constant 0 : i32
      %dma_wait3A_68 = arith.constant 0 : i32
      %dma_wait3A_69 = arith.constant 0 : i32
      %dma_wait3A_70 = tpu.memref_slice %arg7[%dma_wait3A_68, %dma_wait3A_69] : memref<512x64xf32, #tpu.memory_space<vmem>> -> memref<128x64xf32, #tpu.memory_space<vmem>>
      %dma_wait3A_71 = arith.constant 0 : i32
      %dma_wait3A_72 = tpu.memref_slice %arg5[%dma_wait3A_67, %dma_wait3A_71] : memref<4x128xi32, #tpu.memory_space<vmem>> -> memref<1x128xi32, #tpu.memory_space<vmem>>
      %dma_wait3A_73 = tpu.memref_squeeze %dma_wait3A_72 : memref<1x128xi32, #tpu.memory_space<vmem>> -> memref<128xi32, #tpu.memory_space<vmem>>
      %dma_wait3A_74 = arith.constant 0 : i32
      %dma_wait3A_75 = arith.constant 0 : i32
      %dma_wait3A_76 = tpu.memref_slice %arg3[%dma_wait3A_74, %dma_wait3A_75] : memref<1000000x64xf32, #tpu.memory_space<hbm>> -> memref<1000000x64xf32, #tpu.memory_space<hbm>>
      tpu.wait_indirect_dma semaphore(%arg9 : memref<!tpu.dma_semaphore, #tpu.memory_space<semaphore_mem>>) src(%dma_wait3A_76 : memref<1000000x64xf32, #tpu.memory_space<hbm>>) dst(%dma_wait3A_70 : memref<128x64xf32, #tpu.memory_space<vmem>>)
      %dma_wait3A_77 = arith.constant 1 : i32
      %dma_wait3A_78 = arith.constant 128 : i32
      %dma_wait3A_79 = arith.constant 0 : i32
      %dma_wait3A_80 = tpu.memref_slice %arg7[%dma_wait3A_78, %dma_wait3A_79] : memref<512x64xf32, #tpu.memory_space<vmem>> -> memref<128x64xf32, #tpu.memory_space<vmem>>
      %dma_wait3A_81 = arith.constant 0 : i32
      %dma_wait3A_82 = tpu.memref_slice %arg5[%dma_wait3A_77, %dma_wait3A_81] : memref<4x128xi32, #tpu.memory_space<vmem>> -> memref<1x128xi32, #tpu.memory_space<vmem>>
      %dma_wait3A_83 = tpu.memref_squeeze %dma_wait3A_82 : memref<1x128xi32, #tpu.memory_space<vmem>> -> memref<128xi32, #tpu.memory_space<vmem>>
      %dma_wait3A_84 = arith.constant 0 : i32
      %dma_wait3A_85 = arith.constant 0 : i32
      %dma_wait3A_86 = tpu.memref_slice %arg3[%dma_wait3A_84, %dma_wait3A_85] : memref<1000000x64xf32, #tpu.memory_space<hbm>> -> memref<1000000x64xf32, #tpu.memory_space<hbm>>
      tpu.wait_indirect_dma semaphore(%arg9 : memref<!tpu.dma_semaphore, #tpu.memory_space<semaphore_mem>>) src(%dma_wait3A_86 : memref<1000000x64xf32, #tpu.memory_space<hbm>>) dst(%dma_wait3A_80 : memref<128x64xf32, #tpu.memory_space<vmem>>)
      %dma_wait3A_87 = arith.constant 2 : i32
      %dma_wait3A_88 = arith.constant 256 : i32
      %dma_wait3A_89 = arith.constant 0 : i32
      %dma_wait3A_90 = tpu.memref_slice %arg7[%dma_wait3A_88, %dma_wait3A_89] : memref<512x64xf32, #tpu.memory_space<vmem>> -> memref<128x64xf32, #tpu.memory_space<vmem>>
      %dma_wait3A_91 = arith.constant 0 : i32
      %dma_wait3A_92 = tpu.memref_slice %arg5[%dma_wait3A_87, %dma_wait3A_91] : memref<4x128xi32, #tpu.memory_space<vmem>> -> memref<1x128xi32, #tpu.memory_space<vmem>>
      %dma_wait3A_93 = tpu.memref_squeeze %dma_wait3A_92 : memref<1x128xi32, #tpu.memory_space<vmem>> -> memref<128xi32, #tpu.memory_space<vmem>>
      %dma_wait3A_94 = arith.constant 0 : i32
      %dma_wait3A_95 = arith.constant 0 : i32
      %dma_wait3A_96 = tpu.memref_slice %arg3[%dma_wait3A_94, %dma_wait3A_95] : memref<1000000x64xf32, #tpu.memory_space<hbm>> -> memref<1000000x64xf32, #tpu.memory_space<hbm>>
      tpu.wait_indirect_dma semaphore(%arg9 : memref<!tpu.dma_semaphore, #tpu.memory_space<semaphore_mem>>) src(%dma_wait3A_96 : memref<1000000x64xf32, #tpu.memory_space<hbm>>) dst(%dma_wait3A_90 : memref<128x64xf32, #tpu.memory_space<vmem>>)
      %dma_wait3A_97 = arith.constant 3 : i32
      %dma_wait3A_98 = arith.constant 384 : i32
      %dma_wait3A_99 = arith.constant 0 : i32
      %dma_wait3A_100 = tpu.memref_slice %arg7[%dma_wait3A_98, %dma_wait3A_99] : memref<512x64xf32, #tpu.memory_space<vmem>> -> memref<128x64xf32, #tpu.memory_space<vmem>>
      %dma_wait3A_101 = arith.constant 0 : i32
      %dma_wait3A_102 = tpu.memref_slice %arg5[%dma_wait3A_97, %dma_wait3A_101] : memref<4x128xi32, #tpu.memory_space<vmem>> -> memref<1x128xi32, #tpu.memory_space<vmem>>
      %dma_wait3A_103 = tpu.memref_squeeze %dma_wait3A_102 : memref<1x128xi32, #tpu.memory_space<vmem>> -> memref<128xi32, #tpu.memory_space<vmem>>
      %dma_wait3A_104 = arith.constant 0 : i32
      %dma_wait3A_105 = arith.constant 0 : i32
      %dma_wait3A_106 = tpu.memref_slice %arg3[%dma_wait3A_104, %dma_wait3A_105] : memref<1000000x64xf32, #tpu.memory_space<hbm>> -> memref<1000000x64xf32, #tpu.memory_space<hbm>>
      tpu.wait_indirect_dma semaphore(%arg9 : memref<!tpu.dma_semaphore, #tpu.memory_space<semaphore_mem>>) src(%dma_wait3A_106 : memref<1000000x64xf32, #tpu.memory_space<hbm>>) dst(%dma_wait3A_100 : memref<128x64xf32, #tpu.memory_space<vmem>>)
      %scan3A_107 = arith.constant 0 : i32
      %scan3A_108 = arith.constant 0 : i32
      %scan3A_109 = arith.constant 512 : i32
      %scan3A_110 = arith.addi %scan3A_108, %scan3A_109 : i32
      %scan3A_111 = arith.constant 8 : i32
      scf.for %scan3A_189 = %scan3A_108 to %scan3A_110 step %scan3A_111  : i32 {
        %get3A = arith.index_cast %scan3A_189 : i32 to index
        %get3A_190 = arith.constant 0 : index
        %get3A_191 = tpu.vector_load %arg7[%get3A, %get3A_190] {strides = array<i32>} : memref<512x64xf32, #tpu.memory_space<vmem>>, vector<1x16xf32>,
        %get3A_192 = vector.shape_cast %get3A_191 : vector<1x16xf32> to vector<16xf32>
        %mul3A_193 = arith.constant 8.000000e+00 : f32
        %mul3A_194 = vector.broadcast %mul3A_193 : f32 to vector<16xf32>
        %mul3A_195 = arith.mulf %get3A_192, %mul3A_194 : vector<16xf32>
        %swap3A = arith.index_cast %scan3A_189 : i32 to index
        %swap3A_196 = arith.constant 0 : index
        %swap3A_197 = tpu.vector_load %arg7[%swap3A, %swap3A_196] {strides = array<i32>} : memref<512x64xf32, #tpu.memory_space<vmem>>, vector<1x16xf32>,
        %swap3A_198 = vector.shape_cast %swap3A_197 : vector<1x16xf32> to vector<16xf32>
        %swap3A_199 = vector.shape_cast %mul3A_195 : vector<16xf32> to vector<1x16xf32>
        tpu.vector_store %arg7[%swap3A, %swap3A_196], %swap3A_199 {strides = array<i32>} : memref<512x64xf32, #tpu.memory_space<vmem>>, vector<1x16xf32>,
        %get3A_200 = arith.index_cast %scan3A_189 : i32 to index
        %get3A_201 = arith.constant 16 : index
        %get3A_202 = tpu.vector_load %arg7[%get3A_200, %get3A_201] {strides = array<i32>} : memref<512x64xf32, #tpu.memory_space<vmem>>, vector<1x16xf32>,
        %get3A_203 = vector.shape_cast %get3A_202 : vector<1x16xf32> to vector<16xf32>
        %mul3A_204 = arith.constant 8.000000e+00 : f32
        %mul3A_205 = vector.broadcast %mul3A_204 : f32 to vector<16xf32>
        %mul3A_206 = arith.mulf %get3A_203, %mul3A_205 : vector<16xf32>
        %swap3A_207 = arith.index_cast %scan3A_189 : i32 to index
        %swap3A_208 = arith.constant 16 : index
        %swap3A_209 = tpu.vector_load %arg7[%swap3A_207, %swap3A_208] {strides = array<i32>} : memref<512x64xf32, #tpu.memory_space<vmem>>, vector<1x16xf32>,
        %swap3A_210 = vector.shape_cast %swap3A_209 : vector<1x16xf32> to vector<16xf32>
        %swap3A_211 = vector.shape_cast %mul3A_206 : vector<16xf32> to vector<1x16xf32>
        tpu.vector_store %arg7[%swap3A_207, %swap3A_208], %swap3A_211 {strides = array<i32>} : memref<512x64xf32, #tpu.memory_space<vmem>>, vector<1x16xf32>,
        %get3A_212 = arith.index_cast %scan3A_189 : i32 to index
        %get3A_213 = arith.constant 32 : index
        %get3A_214 = tpu.vector_load %arg7[%get3A_212, %get3A_213] {strides = array<i32>} : memref<512x64xf32, #tpu.memory_space<vmem>>, vector<1x16xf32>,
        %get3A_215 = vector.shape_cast %get3A_214 : vector<1x16xf32> to vector<16xf32>
        %mul3A_216 = arith.constant 8.000000e+00 : f32
        %mul3A_217 = vector.broadcast %mul3A_216 : f32 to vector<16xf32>
        %mul3A_218 = arith.mulf %get3A_215, %mul3A_217 : vector<16xf32>
        %swap3A_219 = arith.index_cast %scan3A_189 : i32 to index
        %swap3A_220 = arith.constant 32 : index
        %swap3A_221 = tpu.vector_load %arg7[%swap3A_219, %swap3A_220] {strides = array<i32>} : memref<512x64xf32, #tpu.memory_space<vmem>>, vector<1x16xf32>,
        %swap3A_222 = vector.shape_cast %swap3A_221 : vector<1x16xf32> to vector<16xf32>
        %swap3A_223 = vector.shape_cast %mul3A_218 : vector<16xf32> to vector<1x16xf32>
        tpu.vector_store %arg7[%swap3A_219, %swap3A_220], %swap3A_223 {strides = array<i32>} : memref<512x64xf32, #tpu.memory_space<vmem>>, vector<1x16xf32>,
        %get3A_224 = arith.index_cast %scan3A_189 : i32 to index
        %get3A_225 = arith.constant 48 : index
        %get3A_226 = tpu.vector_load %arg7[%get3A_224, %get3A_225] {strides = array<i32>} : memref<512x64xf32, #tpu.memory_space<vmem>>, vector<1x16xf32>,
        %get3A_227 = vector.shape_cast %get3A_226 : vector<1x16xf32> to vector<16xf32>
        %mul3A_228 = arith.constant 8.000000e+00 : f32
        %mul3A_229 = vector.broadcast %mul3A_228 : f32 to vector<16xf32>
        %mul3A_230 = arith.mulf %get3A_227, %mul3A_229 : vector<16xf32>
        %swap3A_231 = arith.index_cast %scan3A_189 : i32 to index
        %swap3A_232 = arith.constant 48 : index
        %swap3A_233 = tpu.vector_load %arg7[%swap3A_231, %swap3A_232] {strides = array<i32>} : memref<512x64xf32, #tpu.memory_space<vmem>>, vector<1x16xf32>,
        %swap3A_234 = vector.shape_cast %swap3A_233 : vector<1x16xf32> to vector<16xf32>
        %swap3A_235 = vector.shape_cast %mul3A_230 : vector<16xf32> to vector<1x16xf32>
        tpu.vector_store %arg7[%swap3A_231, %swap3A_232], %swap3A_235 {strides = array<i32>} : memref<512x64xf32, #tpu.memory_space<vmem>>, vector<1x16xf32>,
        %scan3A_236 = arith.constant 1 : i32
        %scan3A_237 = arith.addi %scan3A_189, %scan3A_236 : i32
        %get3A_238 = arith.index_cast %scan3A_237 : i32 to index
        %get3A_239 = arith.constant 0 : index
        %get3A_240 = tpu.vector_load %arg7[%get3A_238, %get3A_239] {strides = array<i32>} : memref<512x64xf32, #tpu.memory_space<vmem>>, vector<1x16xf32>,
        %get3A_241 = vector.shape_cast %get3A_240 : vector<1x16xf32> to vector<16xf32>
        %mul3A_242 = arith.constant 8.000000e+00 : f32
        %mul3A_243 = vector.broadcast %mul3A_242 : f32 to vector<16xf32>
        %mul3A_244 = arith.mulf %get3A_241, %mul3A_243 : vector<16xf32>
        %swap3A_245 = arith.index_cast %scan3A_237 : i32 to index
        %swap3A_246 = arith.constant 0 : index
        %swap3A_247 = tpu.vector_load %arg7[%swap3A_245, %swap3A_246] {strides = array<i32>} : memref<512x64xf32, #tpu.memory_space<vmem>>, vector<1x16xf32>,
        %swap3A_248 = vector.shape_cast %swap3A_247 : vector<1x16xf32> to vector<16xf32>
        %swap3A_249 = vector.shape_cast %mul3A_244 : vector<16xf32> to vector<1x16xf32>
        tpu.vector_store %arg7[%swap3A_245, %swap3A_246], %swap3A_249 {strides = array<i32>} : memref<512x64xf32, #tpu.memory_space<vmem>>, vector<1x16xf32>,
        %get3A_250 = arith.index_cast %scan3A_237 : i32 to index
        %get3A_251 = arith.constant 16 : index
        %get3A_252 = tpu.vector_load %arg7[%get3A_250, %get3A_251] {strides = array<i32>} : memref<512x64xf32, #tpu.memory_space<vmem>>, vector<1x16xf32>,
        %get3A_253 = vector.shape_cast %get3A_252 : vector<1x16xf32> to vector<16xf32>
        %mul3A_254 = arith.constant 8.000000e+00 : f32
        %mul3A_255 = vector.broadcast %mul3A_254 : f32 to vector<16xf32>
        %mul3A_256 = arith.mulf %get3A_253, %mul3A_255 : vector<16xf32>
        %swap3A_257 = arith.index_cast %scan3A_237 : i32 to index
        %swap3A_258 = arith.constant 16 : index
        %swap3A_259 = tpu.vector_load %arg7[%swap3A_257, %swap3A_258] {strides = array<i32>} : memref<512x64xf32, #tpu.memory_space<vmem>>, vector<1x16xf32>,
        %swap3A_260 = vector.shape_cast %swap3A_259 : vector<1x16xf32> to vector<16xf32>
        %swap3A_261 = vector.shape_cast %mul3A_256 : vector<16xf32> to vector<1x16xf32>
        tpu.vector_store %arg7[%swap3A_257, %swap3A_258], %swap3A_261 {strides = array<i32>} : memref<512x64xf32, #tpu.memory_space<vmem>>, vector<1x16xf32>,
        %get3A_262 = arith.index_cast %scan3A_237 : i32 to index
        %get3A_263 = arith.constant 32 : index
        %get3A_264 = tpu.vector_load %arg7[%get3A_262, %get3A_263] {strides = array<i32>} : memref<512x64xf32, #tpu.memory_space<vmem>>, vector<1x16xf32>,
        %get3A_265 = vector.shape_cast %get3A_264 : vector<1x16xf32> to vector<16xf32>
        %mul3A_266 = arith.constant 8.000000e+00 : f32
        %mul3A_267 = vector.broadcast %mul3A_266 : f32 to vector<16xf32>
        %mul3A_268 = arith.mulf %get3A_265, %mul3A_267 : vector<16xf32>
        %swap3A_269 = arith.index_cast %scan3A_237 : i32 to index
        %swap3A_270 = arith.constant 32 : index
        %swap3A_271 = tpu.vector_load %arg7[%swap3A_269, %swap3A_270] {strides = array<i32>} : memref<512x64xf32, #tpu.memory_space<vmem>>, vector<1x16xf32>,
        %swap3A_272 = vector.shape_cast %swap3A_271 : vector<1x16xf32> to vector<16xf32>
        %swap3A_273 = vector.shape_cast %mul3A_268 : vector<16xf32> to vector<1x16xf32>
        tpu.vector_store %arg7[%swap3A_269, %swap3A_270], %swap3A_273 {strides = array<i32>} : memref<512x64xf32, #tpu.memory_space<vmem>>, vector<1x16xf32>,
        %get3A_274 = arith.index_cast %scan3A_237 : i32 to index
        %get3A_275 = arith.constant 48 : index
        %get3A_276 = tpu.vector_load %arg7[%get3A_274, %get3A_275] {strides = array<i32>} : memref<512x64xf32, #tpu.memory_space<vmem>>, vector<1x16xf32>,
        %get3A_277 = vector.shape_cast %get3A_276 : vector<1x16xf32> to vector<16xf32>
        %mul3A_278 = arith.constant 8.000000e+00 : f32
        %mul3A_279 = vector.broadcast %mul3A_278 : f32 to vector<16xf32>
        %mul3A_280 = arith.mulf %get3A_277, %mul3A_279 : vector<16xf32>
        %swap3A_281 = arith.index_cast %scan3A_237 : i32 to index
        %swap3A_282 = arith.constant 48 : index
        %swap3A_283 = tpu.vector_load %arg7[%swap3A_281, %swap3A_282] {strides = array<i32>} : memref<512x64xf32, #tpu.memory_space<vmem>>, vector<1x16xf32>,
        %swap3A_284 = vector.shape_cast %swap3A_283 : vector<1x16xf32> to vector<16xf32>
        %swap3A_285 = vector.shape_cast %mul3A_280 : vector<16xf32> to vector<1x16xf32>
        tpu.vector_store %arg7[%swap3A_281, %swap3A_282], %swap3A_285 {strides = array<i32>} : memref<512x64xf32, #tpu.memory_space<vmem>>, vector<1x16xf32>,
        %scan3A_286 = arith.constant 2 : i32
        %scan3A_287 = arith.addi %scan3A_189, %scan3A_286 : i32
        %get3A_288 = arith.index_cast %scan3A_287 : i32 to index
        %get3A_289 = arith.constant 0 : index
        %get3A_290 = tpu.vector_load %arg7[%get3A_288, %get3A_289] {strides = array<i32>} : memref<512x64xf32, #tpu.memory_space<vmem>>, vector<1x16xf32>,
        %get3A_291 = vector.shape_cast %get3A_290 : vector<1x16xf32> to vector<16xf32>
        %mul3A_292 = arith.constant 8.000000e+00 : f32
        %mul3A_293 = vector.broadcast %mul3A_292 : f32 to vector<16xf32>
        %mul3A_294 = arith.mulf %get3A_291, %mul3A_293 : vector<16xf32>
        %swap3A_295 = arith.index_cast %scan3A_287 : i32 to index
        %swap3A_296 = arith.constant 0 : index
        %swap3A_297 = tpu.vector_load %arg7[%swap3A_295, %swap3A_296] {strides = array<i32>} : memref<512x64xf32, #tpu.memory_space<vmem>>, vector<1x16xf32>,
        %swap3A_298 = vector.shape_cast %swap3A_297 : vector<1x16xf32> to vector<16xf32>
        %swap3A_299 = vector.shape_cast %mul3A_294 : vector<16xf32> to vector<1x16xf32>
        tpu.vector_store %arg7[%swap3A_295, %swap3A_296], %swap3A_299 {strides = array<i32>} : memref<512x64xf32, #tpu.memory_space<vmem>>, vector<1x16xf32>,
        %get3A_300 = arith.index_cast %scan3A_287 : i32 to index
        %get3A_301 = arith.constant 16 : index
        %get3A_302 = tpu.vector_load %arg7[%get3A_300, %get3A_301] {strides = array<i32>} : memref<512x64xf32, #tpu.memory_space<vmem>>, vector<1x16xf32>,
        %get3A_303 = vector.shape_cast %get3A_302 : vector<1x16xf32> to vector<16xf32>
        %mul3A_304 = arith.constant 8.000000e+00 : f32
        %mul3A_305 = vector.broadcast %mul3A_304 : f32 to vector<16xf32>
        %mul3A_306 = arith.mulf %get3A_303, %mul3A_305 : vector<16xf32>
        %swap3A_307 = arith.index_cast %scan3A_287 : i32 to index
        %swap3A_308 = arith.constant 16 : index
        %swap3A_309 = tpu.vector_load %arg7[%swap3A_307, %swap3A_308] {strides = array<i32>} : memref<512x64xf32, #tpu.memory_space<vmem>>, vector<1x16xf32>,
        %swap3A_310 = vector.shape_cast %swap3A_309 : vector<1x16xf32> to vector<16xf32>
        %swap3A_311 = vector.shape_cast %mul3A_306 : vector<16xf32> to vector<1x16xf32>
        tpu.vector_store %arg7[%swap3A_307, %swap3A_308], %swap3A_311 {strides = array<i32>} : memref<512x64xf32, #tpu.memory_space<vmem>>, vector<1x16xf32>,
        %get3A_312 = arith.index_cast %scan3A_287 : i32 to index
        %get3A_313 = arith.constant 32 : index
        %get3A_314 = tpu.vector_load %arg7[%get3A_312, %get3A_313] {strides = array<i32>} : memref<512x64xf32, #tpu.memory_space<vmem>>, vector<1x16xf32>,
        %get3A_315 = vector.shape_cast %get3A_314 : vector<1x16xf32> to vector<16xf32>
        %mul3A_316 = arith.constant 8.000000e+00 : f32
        %mul3A_317 = vector.broadcast %mul3A_316 : f32 to vector<16xf32>
        %mul3A_318 = arith.mulf %get3A_315, %mul3A_317 : vector<16xf32>
        %swap3A_319 = arith.index_cast %scan3A_287 : i32 to index
        %swap3A_320 = arith.constant 32 : index
        %swap3A_321 = tpu.vector_load %arg7[%swap3A_319, %swap3A_320] {strides = array<i32>} : memref<512x64xf32, #tpu.memory_space<vmem>>, vector<1x16xf32>,
        %swap3A_322 = vector.shape_cast %swap3A_321 : vector<1x16xf32> to vector<16xf32>
        %swap3A_323 = vector.shape_cast %mul3A_318 : vector<16xf32> to vector<1x16xf32>
        tpu.vector_store %arg7[%swap3A_319, %swap3A_320], %swap3A_323 {strides = array<i32>} : memref<512x64xf32, #tpu.memory_space<vmem>>, vector<1x16xf32>,
        %get3A_324 = arith.index_cast %scan3A_287 : i32 to index
        %get3A_325 = arith.constant 48 : index
        %get3A_326 = tpu.vector_load %arg7[%get3A_324, %get3A_325] {strides = array<i32>} : memref<512x64xf32, #tpu.memory_space<vmem>>, vector<1x16xf32>,
        %get3A_327 = vector.shape_cast %get3A_326 : vector<1x16xf32> to vector<16xf32>
        %mul3A_328 = arith.constant 8.000000e+00 : f32
        %mul3A_329 = vector.broadcast %mul3A_328 : f32 to vector<16xf32>
        %mul3A_330 = arith.mulf %get3A_327, %mul3A_329 : vector<16xf32>
        %swap3A_331 = arith.index_cast %scan3A_287 : i32 to index
        %swap3A_332 = arith.constant 48 : index
        %swap3A_333 = tpu.vector_load %arg7[%swap3A_331, %swap3A_332] {strides = array<i32>} : memref<512x64xf32, #tpu.memory_space<vmem>>, vector<1x16xf32>,
        %swap3A_334 = vector.shape_cast %swap3A_333 : vector<1x16xf32> to vector<16xf32>
        %swap3A_335 = vector.shape_cast %mul3A_330 : vector<16xf32> to vector<1x16xf32>
        tpu.vector_store %arg7[%swap3A_331, %swap3A_332], %swap3A_335 {strides = array<i32>} : memref<512x64xf32, #tpu.memory_space<vmem>>, vector<1x16xf32>,
        %scan3A_336 = arith.constant 3 : i32
        %scan3A_337 = arith.addi %scan3A_189, %scan3A_336 : i32
        %get3A_338 = arith.index_cast %scan3A_337 : i32 to index
        %get3A_339 = arith.constant 0 : index
        %get3A_340 = tpu.vector_load %arg7[%get3A_338, %get3A_339] {strides = array<i32>} : memref<512x64xf32, #tpu.memory_space<vmem>>, vector<1x16xf32>,
        %get3A_341 = vector.shape_cast %get3A_340 : vector<1x16xf32> to vector<16xf32>
        %mul3A_342 = arith.constant 8.000000e+00 : f32
        %mul3A_343 = vector.broadcast %mul3A_342 : f32 to vector<16xf32>
        %mul3A_344 = arith.mulf %get3A_341, %mul3A_343 : vector<16xf32>
        %swap3A_345 = arith.index_cast %scan3A_337 : i32 to index
        %swap3A_346 = arith.constant 0 : index
        %swap3A_347 = tpu.vector_load %arg7[%swap3A_345, %swap3A_346] {strides = array<i32>} : memref<512x64xf32, #tpu.memory_space<vmem>>, vector<1x16xf32>,
        %swap3A_348 = vector.shape_cast %swap3A_347 : vector<1x16xf32> to vector<16xf32>
        %swap3A_349 = vector.shape_cast %mul3A_344 : vector<16xf32> to vector<1x16xf32>
        tpu.vector_store %arg7[%swap3A_345, %swap3A_346], %swap3A_349 {strides = array<i32>} : memref<512x64xf32, #tpu.memory_space<vmem>>, vector<1x16xf32>,
        %get3A_350 = arith.index_cast %scan3A_337 : i32 to index
        %get3A_351 = arith.constant 16 : index
        %get3A_352 = tpu.vector_load %arg7[%get3A_350, %get3A_351] {strides = array<i32>} : memref<512x64xf32, #tpu.memory_space<vmem>>, vector<1x16xf32>,
        %get3A_353 = vector.shape_cast %get3A_352 : vector<1x16xf32> to vector<16xf32>
        %mul3A_354 = arith.constant 8.000000e+00 : f32
        %mul3A_355 = vector.broadcast %mul3A_354 : f32 to vector<16xf32>
        %mul3A_356 = arith.mulf %get3A_353, %mul3A_355 : vector<16xf32>
        %swap3A_357 = arith.index_cast %scan3A_337 : i32 to index
        %swap3A_358 = arith.constant 16 : index
        %swap3A_359 = tpu.vector_load %arg7[%swap3A_357, %swap3A_358] {strides = array<i32>} : memref<512x64xf32, #tpu.memory_space<vmem>>, vector<1x16xf32>,
        %swap3A_360 = vector.shape_cast %swap3A_359 : vector<1x16xf32> to vector<16xf32>
        %swap3A_361 = vector.shape_cast %mul3A_356 : vector<16xf32> to vector<1x16xf32>
        tpu.vector_store %arg7[%swap3A_357, %swap3A_358], %swap3A_361 {strides = array<i32>} : memref<512x64xf32, #tpu.memory_space<vmem>>, vector<1x16xf32>,
        %get3A_362 = arith.index_cast %scan3A_337 : i32 to index
        %get3A_363 = arith.constant 32 : index
        %get3A_364 = tpu.vector_load %arg7[%get3A_362, %get3A_363] {strides = array<i32>} : memref<512x64xf32, #tpu.memory_space<vmem>>, vector<1x16xf32>,
        %get3A_365 = vector.shape_cast %get3A_364 : vector<1x16xf32> to vector<16xf32>
        %mul3A_366 = arith.constant 8.000000e+00 : f32
        %mul3A_367 = vector.broadcast %mul3A_366 : f32 to vector<16xf32>
        %mul3A_368 = arith.mulf %get3A_365, %mul3A_367 : vector<16xf32>
        %swap3A_369 = arith.index_cast %scan3A_337 : i32 to index
        %swap3A_370 = arith.constant 32 : index
        %swap3A_371 = tpu.vector_load %arg7[%swap3A_369, %swap3A_370] {strides = array<i32>} : memref<512x64xf32, #tpu.memory_space<vmem>>, vector<1x16xf32>,
        %swap3A_372 = vector.shape_cast %swap3A_371 : vector<1x16xf32> to vector<16xf32>
        %swap3A_373 = vector.shape_cast %mul3A_368 : vector<16xf32> to vector<1x16xf32>
        tpu.vector_store %arg7[%swap3A_369, %swap3A_370], %swap3A_373 {strides = array<i32>} : memref<512x64xf32, #tpu.memory_space<vmem>>, vector<1x16xf32>,
        %get3A_374 = arith.index_cast %scan3A_337 : i32 to index
        %get3A_375 = arith.constant 48 : index
        %get3A_376 = tpu.vector_load %arg7[%get3A_374, %get3A_375] {strides = array<i32>} : memref<512x64xf32, #tpu.memory_space<vmem>>, vector<1x16xf32>,
        %get3A_377 = vector.shape_cast %get3A_376 : vector<1x16xf32> to vector<16xf32>
        %mul3A_378 = arith.constant 8.000000e+00 : f32
        %mul3A_379 = vector.broadcast %mul3A_378 : f32 to vector<16xf32>
        %mul3A_380 = arith.mulf %get3A_377, %mul3A_379 : vector<16xf32>
        %swap3A_381 = arith.index_cast %scan3A_337 : i32 to index
        %swap3A_382 = arith.constant 48 : index
        %swap3A_383 = tpu.vector_load %arg7[%swap3A_381, %swap3A_382] {strides = array<i32>} : memref<512x64xf32, #tpu.memory_space<vmem>>, vector<1x16xf32>,
        %swap3A_384 = vector.shape_cast %swap3A_383 : vector<1x16xf32> to vector<16xf32>
        %swap3A_385 = vector.shape_cast %mul3A_380 : vector<16xf32> to vector<1x16xf32>
        tpu.vector_store %arg7[%swap3A_381, %swap3A_382], %swap3A_385 {strides = array<i32>} : memref<512x64xf32, #tpu.memory_space<vmem>>, vector<1x16xf32>,
        %scan3A_386 = arith.constant 4 : i32
        %scan3A_387 = arith.addi %scan3A_189, %scan3A_386 : i32
        %get3A_388 = arith.index_cast %scan3A_387 : i32 to index
        %get3A_389 = arith.constant 0 : index
        %get3A_390 = tpu.vector_load %arg7[%get3A_388, %get3A_389] {strides = array<i32>} : memref<512x64xf32, #tpu.memory_space<vmem>>, vector<1x16xf32>,
        %get3A_391 = vector.shape_cast %get3A_390 : vector<1x16xf32> to vector<16xf32>
        %mul3A_392 = arith.constant 8.000000e+00 : f32
        %mul3A_393 = vector.broadcast %mul3A_392 : f32 to vector<16xf32>
        %mul3A_394 = arith.mulf %get3A_391, %mul3A_393 : vector<16xf32>
        %swap3A_395 = arith.index_cast %scan3A_387 : i32 to index
        %swap3A_396 = arith.constant 0 : index
        %swap3A_397 = tpu.vector_load %arg7[%swap3A_395, %swap3A_396] {strides = array<i32>} : memref<512x64xf32, #tpu.memory_space<vmem>>, vector<1x16xf32>,
        %swap3A_398 = vector.shape_cast %swap3A_397 : vector<1x16xf32> to vector<16xf32>
        %swap3A_399 = vector.shape_cast %mul3A_394 : vector<16xf32> to vector<1x16xf32>
        tpu.vector_store %arg7[%swap3A_395, %swap3A_396], %swap3A_399 {strides = array<i32>} : memref<512x64xf32, #tpu.memory_space<vmem>>, vector<1x16xf32>,
        %get3A_400 = arith.index_cast %scan3A_387 : i32 to index
        %get3A_401 = arith.constant 16 : index
        %get3A_402 = tpu.vector_load %arg7[%get3A_400, %get3A_401] {strides = array<i32>} : memref<512x64xf32, #tpu.memory_space<vmem>>, vector<1x16xf32>,
        %get3A_403 = vector.shape_cast %get3A_402 : vector<1x16xf32> to vector<16xf32>
        %mul3A_404 = arith.constant 8.000000e+00 : f32
        %mul3A_405 = vector.broadcast %mul3A_404 : f32 to vector<16xf32>
        %mul3A_406 = arith.mulf %get3A_403, %mul3A_405 : vector<16xf32>
        %swap3A_407 = arith.index_cast %scan3A_387 : i32 to index
        %swap3A_408 = arith.constant 16 : index
        %swap3A_409 = tpu.vector_load %arg7[%swap3A_407, %swap3A_408] {strides = array<i32>} : memref<512x64xf32, #tpu.memory_space<vmem>>, vector<1x16xf32>,
        %swap3A_410 = vector.shape_cast %swap3A_409 : vector<1x16xf32> to vector<16xf32>
        %swap3A_411 = vector.shape_cast %mul3A_406 : vector<16xf32> to vector<1x16xf32>
        tpu.vector_store %arg7[%swap3A_407, %swap3A_408], %swap3A_411 {strides = array<i32>} : memref<512x64xf32, #tpu.memory_space<vmem>>, vector<1x16xf32>,
        %get3A_412 = arith.index_cast %scan3A_387 : i32 to index
        %get3A_413 = arith.constant 32 : index
        %get3A_414 = tpu.vector_load %arg7[%get3A_412, %get3A_413] {strides = array<i32>} : memref<512x64xf32, #tpu.memory_space<vmem>>, vector<1x16xf32>,
        %get3A_415 = vector.shape_cast %get3A_414 : vector<1x16xf32> to vector<16xf32>
        %mul3A_416 = arith.constant 8.000000e+00 : f32
        %mul3A_417 = vector.broadcast %mul3A_416 : f32 to vector<16xf32>
        %mul3A_418 = arith.mulf %get3A_415, %mul3A_417 : vector<16xf32>
        %swap3A_419 = arith.index_cast %scan3A_387 : i32 to index
        %swap3A_420 = arith.constant 32 : index
        %swap3A_421 = tpu.vector_load %arg7[%swap3A_419, %swap3A_420] {strides = array<i32>} : memref<512x64xf32, #tpu.memory_space<vmem>>, vector<1x16xf32>,
        %swap3A_422 = vector.shape_cast %swap3A_421 : vector<1x16xf32> to vector<16xf32>
        %swap3A_423 = vector.shape_cast %mul3A_418 : vector<16xf32> to vector<1x16xf32>
        tpu.vector_store %arg7[%swap3A_419, %swap3A_420], %swap3A_423 {strides = array<i32>} : memref<512x64xf32, #tpu.memory_space<vmem>>, vector<1x16xf32>,
        %get3A_424 = arith.index_cast %scan3A_387 : i32 to index
        %get3A_425 = arith.constant 48 : index
        %get3A_426 = tpu.vector_load %arg7[%get3A_424, %get3A_425] {strides = array<i32>} : memref<512x64xf32, #tpu.memory_space<vmem>>, vector<1x16xf32>,
        %get3A_427 = vector.shape_cast %get3A_426 : vector<1x16xf32> to vector<16xf32>
        %mul3A_428 = arith.constant 8.000000e+00 : f32
        %mul3A_429 = vector.broadcast %mul3A_428 : f32 to vector<16xf32>
        %mul3A_430 = arith.mulf %get3A_427, %mul3A_429 : vector<16xf32>
        %swap3A_431 = arith.index_cast %scan3A_387 : i32 to index
        %swap3A_432 = arith.constant 48 : index
        %swap3A_433 = tpu.vector_load %arg7[%swap3A_431, %swap3A_432] {strides = array<i32>} : memref<512x64xf32, #tpu.memory_space<vmem>>, vector<1x16xf32>,
        %swap3A_434 = vector.shape_cast %swap3A_433 : vector<1x16xf32> to vector<16xf32>
        %swap3A_435 = vector.shape_cast %mul3A_430 : vector<16xf32> to vector<1x16xf32>
        tpu.vector_store %arg7[%swap3A_431, %swap3A_432], %swap3A_435 {strides = array<i32>} : memref<512x64xf32, #tpu.memory_space<vmem>>, vector<1x16xf32>,
        %scan3A_436 = arith.constant 5 : i32
        %scan3A_437 = arith.addi %scan3A_189, %scan3A_436 : i32
        %get3A_438 = arith.index_cast %scan3A_437 : i32 to index
        %get3A_439 = arith.constant 0 : index
        %get3A_440 = tpu.vector_load %arg7[%get3A_438, %get3A_439] {strides = array<i32>} : memref<512x64xf32, #tpu.memory_space<vmem>>, vector<1x16xf32>,
        %get3A_441 = vector.shape_cast %get3A_440 : vector<1x16xf32> to vector<16xf32>
        %mul3A_442 = arith.constant 8.000000e+00 : f32
        %mul3A_443 = vector.broadcast %mul3A_442 : f32 to vector<16xf32>
        %mul3A_444 = arith.mulf %get3A_441, %mul3A_443 : vector<16xf32>
        %swap3A_445 = arith.index_cast %scan3A_437 : i32 to index
        %swap3A_446 = arith.constant 0 : index
        %swap3A_447 = tpu.vector_load %arg7[%swap3A_445, %swap3A_446] {strides = array<i32>} : memref<512x64xf32, #tpu.memory_space<vmem>>, vector<1x16xf32>,
        %swap3A_448 = vector.shape_cast %swap3A_447 : vector<1x16xf32> to vector<16xf32>
        %swap3A_449 = vector.shape_cast %mul3A_444 : vector<16xf32> to vector<1x16xf32>
        tpu.vector_store %arg7[%swap3A_445, %swap3A_446], %swap3A_449 {strides = array<i32>} : memref<512x64xf32, #tpu.memory_space<vmem>>, vector<1x16xf32>,
        %get3A_450 = arith.index_cast %scan3A_437 : i32 to index
        %get3A_451 = arith.constant 16 : index
        %get3A_452 = tpu.vector_load %arg7[%get3A_450, %get3A_451] {strides = array<i32>} : memref<512x64xf32, #tpu.memory_space<vmem>>, vector<1x16xf32>,
        %get3A_453 = vector.shape_cast %get3A_452 : vector<1x16xf32> to vector<16xf32>
        %mul3A_454 = arith.constant 8.000000e+00 : f32
        %mul3A_455 = vector.broadcast %mul3A_454 : f32 to vector<16xf32>
        %mul3A_456 = arith.mulf %get3A_453, %mul3A_455 : vector<16xf32>
        %swap3A_457 = arith.index_cast %scan3A_437 : i32 to index
        %swap3A_458 = arith.constant 16 : index
        %swap3A_459 = tpu.vector_load %arg7[%swap3A_457, %swap3A_458] {strides = array<i32>} : memref<512x64xf32, #tpu.memory_space<vmem>>, vector<1x16xf32>,
        %swap3A_460 = vector.shape_cast %swap3A_459 : vector<1x16xf32> to vector<16xf32>
        %swap3A_461 = vector.shape_cast %mul3A_456 : vector<16xf32> to vector<1x16xf32>
        tpu.vector_store %arg7[%swap3A_457, %swap3A_458], %swap3A_461 {strides = array<i32>} : memref<512x64xf32, #tpu.memory_space<vmem>>, vector<1x16xf32>,
        %get3A_462 = arith.index_cast %scan3A_437 : i32 to index
        %get3A_463 = arith.constant 32 : index
        %get3A_464 = tpu.vector_load %arg7[%get3A_462, %get3A_463] {strides = array<i32>} : memref<512x64xf32, #tpu.memory_space<vmem>>, vector<1x16xf32>,
        %get3A_465 = vector.shape_cast %get3A_464 : vector<1x16xf32> to vector<16xf32>
        %mul3A_466 = arith.constant 8.000000e+00 : f32
        %mul3A_467 = vector.broadcast %mul3A_466 : f32 to vector<16xf32>
        %mul3A_468 = arith.mulf %get3A_465, %mul3A_467 : vector<16xf32>
        %swap3A_469 = arith.index_cast %scan3A_437 : i32 to index
        %swap3A_470 = arith.constant 32 : index
        %swap3A_471 = tpu.vector_load %arg7[%swap3A_469, %swap3A_470] {strides = array<i32>} : memref<512x64xf32, #tpu.memory_space<vmem>>, vector<1x16xf32>,
        %swap3A_472 = vector.shape_cast %swap3A_471 : vector<1x16xf32> to vector<16xf32>
        %swap3A_473 = vector.shape_cast %mul3A_468 : vector<16xf32> to vector<1x16xf32>
        tpu.vector_store %arg7[%swap3A_469, %swap3A_470], %swap3A_473 {strides = array<i32>} : memref<512x64xf32, #tpu.memory_space<vmem>>, vector<1x16xf32>,
        %get3A_474 = arith.index_cast %scan3A_437 : i32 to index
        %get3A_475 = arith.constant 48 : index
        %get3A_476 = tpu.vector_load %arg7[%get3A_474, %get3A_475] {strides = array<i32>} : memref<512x64xf32, #tpu.memory_space<vmem>>, vector<1x16xf32>,
        %get3A_477 = vector.shape_cast %get3A_476 : vector<1x16xf32> to vector<16xf32>
        %mul3A_478 = arith.constant 8.000000e+00 : f32
        %mul3A_479 = vector.broadcast %mul3A_478 : f32 to vector<16xf32>
        %mul3A_480 = arith.mulf %get3A_477, %mul3A_479 : vector<16xf32>
        %swap3A_481 = arith.index_cast %scan3A_437 : i32 to index
        %swap3A_482 = arith.constant 48 : index
        %swap3A_483 = tpu.vector_load %arg7[%swap3A_481, %swap3A_482] {strides = array<i32>} : memref<512x64xf32, #tpu.memory_space<vmem>>, vector<1x16xf32>,
        %swap3A_484 = vector.shape_cast %swap3A_483 : vector<1x16xf32> to vector<16xf32>
        %swap3A_485 = vector.shape_cast %mul3A_480 : vector<16xf32> to vector<1x16xf32>
        tpu.vector_store %arg7[%swap3A_481, %swap3A_482], %swap3A_485 {strides = array<i32>} : memref<512x64xf32, #tpu.memory_space<vmem>>, vector<1x16xf32>,
        %scan3A_486 = arith.constant 6 : i32
        %scan3A_487 = arith.addi %scan3A_189, %scan3A_486 : i32
        %get3A_488 = arith.index_cast %scan3A_487 : i32 to index
        %get3A_489 = arith.constant 0 : index
        %get3A_490 = tpu.vector_load %arg7[%get3A_488, %get3A_489] {strides = array<i32>} : memref<512x64xf32, #tpu.memory_space<vmem>>, vector<1x16xf32>,
        %get3A_491 = vector.shape_cast %get3A_490 : vector<1x16xf32> to vector<16xf32>
        %mul3A_492 = arith.constant 8.000000e+00 : f32
        %mul3A_493 = vector.broadcast %mul3A_492 : f32 to vector<16xf32>
        %mul3A_494 = arith.mulf %get3A_491, %mul3A_493 : vector<16xf32>
        %swap3A_495 = arith.index_cast %scan3A_487 : i32 to index
        %swap3A_496 = arith.constant 0 : index
        %swap3A_497 = tpu.vector_load %arg7[%swap3A_495, %swap3A_496] {strides = array<i32>} : memref<512x64xf32, #tpu.memory_space<vmem>>, vector<1x16xf32>,
        %swap3A_498 = vector.shape_cast %swap3A_497 : vector<1x16xf32> to vector<16xf32>
        %swap3A_499 = vector.shape_cast %mul3A_494 : vector<16xf32> to vector<1x16xf32>
        tpu.vector_store %arg7[%swap3A_495, %swap3A_496], %swap3A_499 {strides = array<i32>} : memref<512x64xf32, #tpu.memory_space<vmem>>, vector<1x16xf32>,
        %get3A_500 = arith.index_cast %scan3A_487 : i32 to index
        %get3A_501 = arith.constant 16 : index
        %get3A_502 = tpu.vector_load %arg7[%get3A_500, %get3A_501] {strides = array<i32>} : memref<512x64xf32, #tpu.memory_space<vmem>>, vector<1x16xf32>,
        %get3A_503 = vector.shape_cast %get3A_502 : vector<1x16xf32> to vector<16xf32>
        %mul3A_504 = arith.constant 8.000000e+00 : f32
        %mul3A_505 = vector.broadcast %mul3A_504 : f32 to vector<16xf32>
        %mul3A_506 = arith.mulf %get3A_503, %mul3A_505 : vector<16xf32>
        %swap3A_507 = arith.index_cast %scan3A_487 : i32 to index
        %swap3A_508 = arith.constant 16 : index
        %swap3A_509 = tpu.vector_load %arg7[%swap3A_507, %swap3A_508] {strides = array<i32>} : memref<512x64xf32, #tpu.memory_space<vmem>>, vector<1x16xf32>,
        %swap3A_510 = vector.shape_cast %swap3A_509 : vector<1x16xf32> to vector<16xf32>
        %swap3A_511 = vector.shape_cast %mul3A_506 : vector<16xf32> to vector<1x16xf32>
        tpu.vector_store %arg7[%swap3A_507, %swap3A_508], %swap3A_511 {strides = array<i32>} : memref<512x64xf32, #tpu.memory_space<vmem>>, vector<1x16xf32>,
        %get3A_512 = arith.index_cast %scan3A_487 : i32 to index
        %get3A_513 = arith.constant 32 : index
        %get3A_514 = tpu.vector_load %arg7[%get3A_512, %get3A_513] {strides = array<i32>} : memref<512x64xf32, #tpu.memory_space<vmem>>, vector<1x16xf32>,
        %get3A_515 = vector.shape_cast %get3A_514 : vector<1x16xf32> to vector<16xf32>
        %mul3A_516 = arith.constant 8.000000e+00 : f32
        %mul3A_517 = vector.broadcast %mul3A_516 : f32 to vector<16xf32>
        %mul3A_518 = arith.mulf %get3A_515, %mul3A_517 : vector<16xf32>
        %swap3A_519 = arith.index_cast %scan3A_487 : i32 to index
        %swap3A_520 = arith.constant 32 : index
        %swap3A_521 = tpu.vector_load %arg7[%swap3A_519, %swap3A_520] {strides = array<i32>} : memref<512x64xf32, #tpu.memory_space<vmem>>, vector<1x16xf32>,
        %swap3A_522 = vector.shape_cast %swap3A_521 : vector<1x16xf32> to vector<16xf32>
        %swap3A_523 = vector.shape_cast %mul3A_518 : vector<16xf32> to vector<1x16xf32>
        tpu.vector_store %arg7[%swap3A_519, %swap3A_520], %swap3A_523 {strides = array<i32>} : memref<512x64xf32, #tpu.memory_space<vmem>>, vector<1x16xf32>,
        %get3A_524 = arith.index_cast %scan3A_487 : i32 to index
        %get3A_525 = arith.constant 48 : index
        %get3A_526 = tpu.vector_load %arg7[%get3A_524, %get3A_525] {strides = array<i32>} : memref<512x64xf32, #tpu.memory_space<vmem>>, vector<1x16xf32>,
        %get3A_527 = vector.shape_cast %get3A_526 : vector<1x16xf32> to vector<16xf32>
        %mul3A_528 = arith.constant 8.000000e+00 : f32
        %mul3A_529 = vector.broadcast %mul3A_528 : f32 to vector<16xf32>
        %mul3A_530 = arith.mulf %get3A_527, %mul3A_529 : vector<16xf32>
        %swap3A_531 = arith.index_cast %scan3A_487 : i32 to index
        %swap3A_532 = arith.constant 48 : index
        %swap3A_533 = tpu.vector_load %arg7[%swap3A_531, %swap3A_532] {strides = array<i32>} : memref<512x64xf32, #tpu.memory_space<vmem>>, vector<1x16xf32>,
        %swap3A_534 = vector.shape_cast %swap3A_533 : vector<1x16xf32> to vector<16xf32>
        %swap3A_535 = vector.shape_cast %mul3A_530 : vector<16xf32> to vector<1x16xf32>
        tpu.vector_store %arg7[%swap3A_531, %swap3A_532], %swap3A_535 {strides = array<i32>} : memref<512x64xf32, #tpu.memory_space<vmem>>, vector<1x16xf32>,
        %scan3A_536 = arith.constant 7 : i32
        %scan3A_537 = arith.addi %scan3A_189, %scan3A_536 : i32
        %get3A_538 = arith.index_cast %scan3A_537 : i32 to index
        %get3A_539 = arith.constant 0 : index
        %get3A_540 = tpu.vector_load %arg7[%get3A_538, %get3A_539] {strides = array<i32>} : memref<512x64xf32, #tpu.memory_space<vmem>>, vector<1x16xf32>,
        %get3A_541 = vector.shape_cast %get3A_540 : vector<1x16xf32> to vector<16xf32>
        %mul3A_542 = arith.constant 8.000000e+00 : f32
        %mul3A_543 = vector.broadcast %mul3A_542 : f32 to vector<16xf32>
        %mul3A_544 = arith.mulf %get3A_541, %mul3A_543 : vector<16xf32>
        %swap3A_545 = arith.index_cast %scan3A_537 : i32 to index
        %swap3A_546 = arith.constant 0 : index
        %swap3A_547 = tpu.vector_load %arg7[%swap3A_545, %swap3A_546] {strides = array<i32>} : memref<512x64xf32, #tpu.memory_space<vmem>>, vector<1x16xf32>,
        %swap3A_548 = vector.shape_cast %swap3A_547 : vector<1x16xf32> to vector<16xf32>
        %swap3A_549 = vector.shape_cast %mul3A_544 : vector<16xf32> to vector<1x16xf32>
        tpu.vector_store %arg7[%swap3A_545, %swap3A_546], %swap3A_549 {strides = array<i32>} : memref<512x64xf32, #tpu.memory_space<vmem>>, vector<1x16xf32>,
        %get3A_550 = arith.index_cast %scan3A_537 : i32 to index
        %get3A_551 = arith.constant 16 : index
        %get3A_552 = tpu.vector_load %arg7[%get3A_550, %get3A_551] {strides = array<i32>} : memref<512x64xf32, #tpu.memory_space<vmem>>, vector<1x16xf32>,
        %get3A_553 = vector.shape_cast %get3A_552 : vector<1x16xf32> to vector<16xf32>
        %mul3A_554 = arith.constant 8.000000e+00 : f32
        %mul3A_555 = vector.broadcast %mul3A_554 : f32 to vector<16xf32>
        %mul3A_556 = arith.mulf %get3A_553, %mul3A_555 : vector<16xf32>
        %swap3A_557 = arith.index_cast %scan3A_537 : i32 to index
        %swap3A_558 = arith.constant 16 : index
        %swap3A_559 = tpu.vector_load %arg7[%swap3A_557, %swap3A_558] {strides = array<i32>} : memref<512x64xf32, #tpu.memory_space<vmem>>, vector<1x16xf32>,
        %swap3A_560 = vector.shape_cast %swap3A_559 : vector<1x16xf32> to vector<16xf32>
        %swap3A_561 = vector.shape_cast %mul3A_556 : vector<16xf32> to vector<1x16xf32>
        tpu.vector_store %arg7[%swap3A_557, %swap3A_558], %swap3A_561 {strides = array<i32>} : memref<512x64xf32, #tpu.memory_space<vmem>>, vector<1x16xf32>,
        %get3A_562 = arith.index_cast %scan3A_537 : i32 to index
        %get3A_563 = arith.constant 32 : index
        %get3A_564 = tpu.vector_load %arg7[%get3A_562, %get3A_563] {strides = array<i32>} : memref<512x64xf32, #tpu.memory_space<vmem>>, vector<1x16xf32>,
        %get3A_565 = vector.shape_cast %get3A_564 : vector<1x16xf32> to vector<16xf32>
        %mul3A_566 = arith.constant 8.000000e+00 : f32
        %mul3A_567 = vector.broadcast %mul3A_566 : f32 to vector<16xf32>
        %mul3A_568 = arith.mulf %get3A_565, %mul3A_567 : vector<16xf32>
        %swap3A_569 = arith.index_cast %scan3A_537 : i32 to index
        %swap3A_570 = arith.constant 32 : index
        %swap3A_571 = tpu.vector_load %arg7[%swap3A_569, %swap3A_570] {strides = array<i32>} : memref<512x64xf32, #tpu.memory_space<vmem>>, vector<1x16xf32>,
        %swap3A_572 = vector.shape_cast %swap3A_571 : vector<1x16xf32> to vector<16xf32>
        %swap3A_573 = vector.shape_cast %mul3A_568 : vector<16xf32> to vector<1x16xf32>
        tpu.vector_store %arg7[%swap3A_569, %swap3A_570], %swap3A_573 {strides = array<i32>} : memref<512x64xf32, #tpu.memory_space<vmem>>, vector<1x16xf32>,
        %get3A_574 = arith.index_cast %scan3A_537 : i32 to index
        %get3A_575 = arith.constant 48 : index
        %get3A_576 = tpu.vector_load %arg7[%get3A_574, %get3A_575] {strides = array<i32>} : memref<512x64xf32, #tpu.memory_space<vmem>>, vector<1x16xf32>,
        %get3A_577 = vector.shape_cast %get3A_576 : vector<1x16xf32> to vector<16xf32>
        %mul3A_578 = arith.constant 8.000000e+00 : f32
        %mul3A_579 = vector.broadcast %mul3A_578 : f32 to vector<16xf32>
        %mul3A_580 = arith.mulf %get3A_577, %mul3A_579 : vector<16xf32>
        %swap3A_581 = arith.index_cast %scan3A_537 : i32 to index
        %swap3A_582 = arith.constant 48 : index
        %swap3A_583 = tpu.vector_load %arg7[%swap3A_581, %swap3A_582] {strides = array<i32>} : memref<512x64xf32, #tpu.memory_space<vmem>>, vector<1x16xf32>,
        %swap3A_584 = vector.shape_cast %swap3A_583 : vector<1x16xf32> to vector<16xf32>
        %swap3A_585 = vector.shape_cast %mul3A_580 : vector<16xf32> to vector<1x16xf32>
        tpu.vector_store %arg7[%swap3A_581, %swap3A_582], %swap3A_585 {strides = array<i32>} : memref<512x64xf32, #tpu.memory_space<vmem>>, vector<1x16xf32>,
      }
      %scan3A_112 = arith.constant 512 : i32
      %mul3A_113 = arith.constant 512 : i32
      %mul3A_114 = arith.muli %mul3A_58, %mul3A_113 : i32
      %add3A_115 = arith.addi %mul3A_4, %mul3A_114 : i32
      %dma_start3A_116 = arith.constant 0 : i32
      %dma_start3A_117 = tpu.memref_slice %arg4[%add3A_115, %dma_start3A_116] : memref<819200x64xf32, #tpu.memory_space<hbm>> -> memref<512x64xf32, #tpu.memory_space<hbm>>
      %dma_start3A_118 = arith.constant 0 : i32
      %dma_start3A_119 = tpu.memref_slice %arg4[%add3A_115, %dma_start3A_118] : memref<819200x64xf32, #tpu.memory_space<hbm>> -> memref<512x64xf32, #tpu.memory_space<hbm>>
      tpu.enqueue_dma source(%arg7 : memref<512x64xf32, #tpu.memory_space<vmem>>) target(%dma_start3A_119 : memref<512x64xf32, #tpu.memory_space<hbm>>) target_semaphore(%arg11 : memref<!tpu.dma_semaphore, #tpu.memory_space<semaphore_mem>>)
      %mul3A_120 = arith.constant 2 : i32
      %mul3A_121 = arith.muli %mul3A_120, %scan3A_56 : i32
      %add3A_122 = arith.constant 1 : i32
      %add3A_123 = arith.addi %mul3A_121, %add3A_122 : i32
      %gt3A_124 = arith.constant 0 : i32
      %gt3A_125 = arith.cmpi sgt, %add3A_123, %gt3A_124 : i32
      %convert_element_type3A_126 = arith.extui %gt3A_125 : i1 to i32
      %cond3A_127 = arith.constant 0 : i32
      %cond3A_128 = arith.cmpi ne, %convert_element_type3A_126, %cond3A_127 : i32
      scf.if %cond3A_128 {
        %sub3A = arith.constant 1 : i32
        %sub3A_189 = arith.subi %add3A_123, %sub3A : i32
        %mul3A_190 = arith.constant 512 : i32
        %mul3A_191 = arith.muli %sub3A_189, %mul3A_190 : i32
        %add3A_192 = arith.addi %mul3A_4, %mul3A_191 : i32
        %dma_wait3A_193 = arith.constant 0 : i32
        %dma_wait3A_194 = tpu.memref_slice %arg4[%add3A_192, %dma_wait3A_193] : memref<819200x64xf32, #tpu.memory_space<hbm>> -> memref<512x64xf32, #tpu.memory_space<hbm>>
        %dma_wait3A_195 = arith.constant 0 : i32
        %dma_wait3A_196 = tpu.memref_slice %arg4[%add3A_192, %dma_wait3A_195] : memref<819200x64xf32, #tpu.memory_space<hbm>> -> memref<512x64xf32, #tpu.memory_space<hbm>>
        tpu.wait_dma2 semaphore(%arg11 : memref<!tpu.dma_semaphore, #tpu.memory_space<semaphore_mem>>) src(%arg7 : memref<512x64xf32, #tpu.memory_space<vmem>>) dst(%dma_wait3A_196 : memref<512x64xf32, #tpu.memory_space<hbm>>)
      } else {
      }
      %add3A_129 = arith.constant 1 : i32
      %add3A_130 = arith.addi %add3A_123, %add3A_129 : i32
      %lt3A_131 = arith.constant 50 : i32
      %lt3A_132 = arith.cmpi slt, %add3A_130, %lt3A_131 : i32
      %convert_element_type3A_133 = arith.extui %lt3A_132 : i1 to i32
      %cond3A_134 = arith.constant 0 : i32
      %cond3A_135 = arith.cmpi ne, %convert_element_type3A_133, %cond3A_134 : i32
      scf.if %cond3A_135 {
        %add3A_189 = arith.constant 1 : i32
        %add3A_190 = arith.addi %add3A_123, %add3A_189 : i32
        %add3A_191 = arith.addi %mul3A_2, %add3A_190 : i32
        "tpu.region"() ({
          %run_scoped3A = tpu.sem_alloc : memref<!tpu.dma_semaphore, #tpu.memory_space<semaphore_mem>>
          %dma_start3A_232 = arith.constant 0 : i32
          %dma_start3A_233 = arith.constant 0 : i32
          %dma_start3A_234 = tpu.memref_slice %arg2[%add3A_191, %dma_start3A_232, %dma_start3A_233] : memref<1600x4x128xi32, #tpu.memory_space<hbm>> -> memref<1x4x128xi32, #tpu.memory_space<hbm>>
          %dma_start3A_235 = tpu.memref_squeeze %dma_start3A_234 : memref<1x4x128xi32, #tpu.memory_space<hbm>> -> memref<4x128xi32, #tpu.memory_space<hbm>>
          %dma_start3A_236 = arith.constant 0 : i32
          %dma_start3A_237 = arith.constant 0 : i32
          %dma_start3A_238 = tpu.memref_slice %arg2[%add3A_191, %dma_start3A_236, %dma_start3A_237] : memref<1600x4x128xi32, #tpu.memory_space<hbm>> -> memref<1x4x128xi32, #tpu.memory_space<hbm>>
          %dma_start3A_239 = tpu.memref_squeeze %dma_start3A_238 : memref<1x4x128xi32, #tpu.memory_space<hbm>> -> memref<4x128xi32, #tpu.memory_space<hbm>>
          tpu.enqueue_dma source(%dma_start3A_239 : memref<4x128xi32, #tpu.memory_space<hbm>>) target(%arg5 : memref<4x128xi32, #tpu.memory_space<vmem>>) target_semaphore(%run_scoped3A : memref<!tpu.dma_semaphore, #tpu.memory_space<semaphore_mem>>)
          %dma_wait3A_240 = arith.constant 0 : i32
          %dma_wait3A_241 = arith.constant 0 : i32
          %dma_wait3A_242 = tpu.memref_slice %arg2[%add3A_191, %dma_wait3A_240, %dma_wait3A_241] : memref<1600x4x128xi32, #tpu.memory_space<hbm>> -> memref<1x4x128xi32, #tpu.memory_space<hbm>>
          %dma_wait3A_243 = tpu.memref_squeeze %dma_wait3A_242 : memref<1x4x128xi32, #tpu.memory_space<hbm>> -> memref<4x128xi32, #tpu.memory_space<hbm>>
          %dma_wait3A_244 = arith.constant 0 : i32
          %dma_wait3A_245 = arith.constant 0 : i32
          %dma_wait3A_246 = tpu.memref_slice %arg2[%add3A_191, %dma_wait3A_244, %dma_wait3A_245] : memref<1600x4x128xi32, #tpu.memory_space<hbm>> -> memref<1x4x128xi32, #tpu.memory_space<hbm>>
          %dma_wait3A_247 = tpu.memref_squeeze %dma_wait3A_246 : memref<1x4x128xi32, #tpu.memory_space<hbm>> -> memref<4x128xi32, #tpu.memory_space<hbm>>
          tpu.wait_dma2 semaphore(%run_scoped3A : memref<!tpu.dma_semaphore, #tpu.memory_space<semaphore_mem>>) src(%dma_wait3A_247 : memref<4x128xi32, #tpu.memory_space<hbm>>) dst(%arg5 : memref<4x128xi32, #tpu.memory_space<vmem>>)
          tpu.yield
        }) : () -> ()
        %dma_start3A_192 = arith.constant 0 : i32
        %dma_start3A_193 = arith.constant 0 : i32
        %dma_start3A_194 = arith.constant 0 : i32
        %dma_start3A_195 = tpu.memref_slice %arg7[%dma_start3A_193, %dma_start3A_194] : memref<512x64xf32, #tpu.memory_space<vmem>> -> memref<128x64xf32, #tpu.memory_space<vmem>>
        %dma_start3A_196 = arith.constant 0 : i32
        %dma_start3A_197 = tpu.memref_slice %arg5[%dma_start3A_192, %dma_start3A_196] : memref<4x128xi32, #tpu.memory_space<vmem>> -> memref<1x128xi32, #tpu.memory_space<vmem>>
        %dma_start3A_198 = tpu.memref_squeeze %dma_start3A_197 : memref<1x128xi32, #tpu.memory_space<vmem>> -> memref<128xi32, #tpu.memory_space<vmem>>
        %dma_start3A_199 = arith.constant 0 : i32
        %dma_start3A_200 = arith.constant 0 : i32
        %dma_start3A_201 = tpu.memref_slice %arg3[%dma_start3A_199, %dma_start3A_200] : memref<1000000x64xf32, #tpu.memory_space<hbm>> -> memref<1000000x64xf32, #tpu.memory_space<hbm>>
        tpu.enqueue_indirect_dma source(%dma_start3A_201 : memref<1000000x64xf32, #tpu.memory_space<hbm>>) target(%dma_start3A_195 : memref<128x64xf32, #tpu.memory_space<vmem>>) offsets(%dma_start3A_198 : memref<128xi32, #tpu.memory_space<vmem>>) semaphore(%arg9 : memref<!tpu.dma_semaphore, #tpu.memory_space<semaphore_mem>>)
        %dma_start3A_202 = arith.constant 1 : i32
        %dma_start3A_203 = arith.constant 128 : i32
        %dma_start3A_204 = arith.constant 0 : i32
        %dma_start3A_205 = tpu.memref_slice %arg7[%dma_start3A_203, %dma_start3A_204] : memref<512x64xf32, #tpu.memory_space<vmem>> -> memref<128x64xf32, #tpu.memory_space<vmem>>
        %dma_start3A_206 = arith.constant 0 : i32
        %dma_start3A_207 = tpu.memref_slice %arg5[%dma_start3A_202, %dma_start3A_206] : memref<4x128xi32, #tpu.memory_space<vmem>> -> memref<1x128xi32, #tpu.memory_space<vmem>>
        %dma_start3A_208 = tpu.memref_squeeze %dma_start3A_207 : memref<1x128xi32, #tpu.memory_space<vmem>> -> memref<128xi32, #tpu.memory_space<vmem>>
        %dma_start3A_209 = arith.constant 0 : i32
        %dma_start3A_210 = arith.constant 0 : i32
        %dma_start3A_211 = tpu.memref_slice %arg3[%dma_start3A_209, %dma_start3A_210] : memref<1000000x64xf32, #tpu.memory_space<hbm>> -> memref<1000000x64xf32, #tpu.memory_space<hbm>>
        tpu.enqueue_indirect_dma source(%dma_start3A_211 : memref<1000000x64xf32, #tpu.memory_space<hbm>>) target(%dma_start3A_205 : memref<128x64xf32, #tpu.memory_space<vmem>>) offsets(%dma_start3A_208 : memref<128xi32, #tpu.memory_space<vmem>>) semaphore(%arg9 : memref<!tpu.dma_semaphore, #tpu.memory_space<semaphore_mem>>)
        %dma_start3A_212 = arith.constant 2 : i32
        %dma_start3A_213 = arith.constant 256 : i32
        %dma_start3A_214 = arith.constant 0 : i32
        %dma_start3A_215 = tpu.memref_slice %arg7[%dma_start3A_213, %dma_start3A_214] : memref<512x64xf32, #tpu.memory_space<vmem>> -> memref<128x64xf32, #tpu.memory_space<vmem>>
        %dma_start3A_216 = arith.constant 0 : i32
        %dma_start3A_217 = tpu.memref_slice %arg5[%dma_start3A_212, %dma_start3A_216] : memref<4x128xi32, #tpu.memory_space<vmem>> -> memref<1x128xi32, #tpu.memory_space<vmem>>
        %dma_start3A_218 = tpu.memref_squeeze %dma_start3A_217 : memref<1x128xi32, #tpu.memory_space<vmem>> -> memref<128xi32, #tpu.memory_space<vmem>>
        %dma_start3A_219 = arith.constant 0 : i32
        %dma_start3A_220 = arith.constant 0 : i32
        %dma_start3A_221 = tpu.memref_slice %arg3[%dma_start3A_219, %dma_start3A_220] : memref<1000000x64xf32, #tpu.memory_space<hbm>> -> memref<1000000x64xf32, #tpu.memory_space<hbm>>
        tpu.enqueue_indirect_dma source(%dma_start3A_221 : memref<1000000x64xf32, #tpu.memory_space<hbm>>) target(%dma_start3A_215 : memref<128x64xf32, #tpu.memory_space<vmem>>) offsets(%dma_start3A_218 : memref<128xi32, #tpu.memory_space<vmem>>) semaphore(%arg9 : memref<!tpu.dma_semaphore, #tpu.memory_space<semaphore_mem>>)
        %dma_start3A_222 = arith.constant 3 : i32
        %dma_start3A_223 = arith.constant 384 : i32
        %dma_start3A_224 = arith.constant 0 : i32
        %dma_start3A_225 = tpu.memref_slice %arg7[%dma_start3A_223, %dma_start3A_224] : memref<512x64xf32, #tpu.memory_space<vmem>> -> memref<128x64xf32, #tpu.memory_space<vmem>>
        %dma_start3A_226 = arith.constant 0 : i32
        %dma_start3A_227 = tpu.memref_slice %arg5[%dma_start3A_222, %dma_start3A_226] : memref<4x128xi32, #tpu.memory_space<vmem>> -> memref<1x128xi32, #tpu.memory_space<vmem>>
        %dma_start3A_228 = tpu.memref_squeeze %dma_start3A_227 : memref<1x128xi32, #tpu.memory_space<vmem>> -> memref<128xi32, #tpu.memory_space<vmem>>
        %dma_start3A_229 = arith.constant 0 : i32
        %dma_start3A_230 = arith.constant 0 : i32
        %dma_start3A_231 = tpu.memref_slice %arg3[%dma_start3A_229, %dma_start3A_230] : memref<1000000x64xf32, #tpu.memory_space<hbm>> -> memref<1000000x64xf32, #tpu.memory_space<hbm>>
        tpu.enqueue_indirect_dma source(%dma_start3A_231 : memref<1000000x64xf32, #tpu.memory_space<hbm>>) target(%dma_start3A_225 : memref<128x64xf32, #tpu.memory_space<vmem>>) offsets(%dma_start3A_228 : memref<128xi32, #tpu.memory_space<vmem>>) semaphore(%arg9 : memref<!tpu.dma_semaphore, #tpu.memory_space<semaphore_mem>>)
      } else {
      }
      %dma_wait3A_136 = arith.constant 0 : i32
      %dma_wait3A_137 = arith.constant 0 : i32
      %dma_wait3A_138 = arith.constant 0 : i32
      %dma_wait3A_139 = tpu.memref_slice %arg8[%dma_wait3A_137, %dma_wait3A_138] : memref<512x64xf32, #tpu.memory_space<vmem>> -> memref<128x64xf32, #tpu.memory_space<vmem>>
      %dma_wait3A_140 = arith.constant 0 : i32
      %dma_wait3A_141 = tpu.memref_slice %arg6[%dma_wait3A_136, %dma_wait3A_140] : memref<4x128xi32, #tpu.memory_space<vmem>> -> memref<1x128xi32, #tpu.memory_space<vmem>>
      %dma_wait3A_142 = tpu.memref_squeeze %dma_wait3A_141 : memref<1x128xi32, #tpu.memory_space<vmem>> -> memref<128xi32, #tpu.memory_space<vmem>>
      %dma_wait3A_143 = arith.constant 0 : i32
      %dma_wait3A_144 = arith.constant 0 : i32
      %dma_wait3A_145 = tpu.memref_slice %arg3[%dma_wait3A_143, %dma_wait3A_144] : memref<1000000x64xf32, #tpu.memory_space<hbm>> -> memref<1000000x64xf32, #tpu.memory_space<hbm>>
      tpu.wait_indirect_dma semaphore(%arg10 : memref<!tpu.dma_semaphore, #tpu.memory_space<semaphore_mem>>) src(%dma_wait3A_145 : memref<1000000x64xf32, #tpu.memory_space<hbm>>) dst(%dma_wait3A_139 : memref<128x64xf32, #tpu.memory_space<vmem>>)
      %dma_wait3A_146 = arith.constant 1 : i32
      %dma_wait3A_147 = arith.constant 128 : i32
      %dma_wait3A_148 = arith.constant 0 : i32
      %dma_wait3A_149 = tpu.memref_slice %arg8[%dma_wait3A_147, %dma_wait3A_148] : memref<512x64xf32, #tpu.memory_space<vmem>> -> memref<128x64xf32, #tpu.memory_space<vmem>>
      %dma_wait3A_150 = arith.constant 0 : i32
      %dma_wait3A_151 = tpu.memref_slice %arg6[%dma_wait3A_146, %dma_wait3A_150] : memref<4x128xi32, #tpu.memory_space<vmem>> -> memref<1x128xi32, #tpu.memory_space<vmem>>
      %dma_wait3A_152 = tpu.memref_squeeze %dma_wait3A_151 : memref<1x128xi32, #tpu.memory_space<vmem>> -> memref<128xi32, #tpu.memory_space<vmem>>
      %dma_wait3A_153 = arith.constant 0 : i32
      %dma_wait3A_154 = arith.constant 0 : i32
      %dma_wait3A_155 = tpu.memref_slice %arg3[%dma_wait3A_153, %dma_wait3A_154] : memref<1000000x64xf32, #tpu.memory_space<hbm>> -> memref<1000000x64xf32, #tpu.memory_space<hbm>>
      tpu.wait_indirect_dma semaphore(%arg10 : memref<!tpu.dma_semaphore, #tpu.memory_space<semaphore_mem>>) src(%dma_wait3A_155 : memref<1000000x64xf32, #tpu.memory_space<hbm>>) dst(%dma_wait3A_149 : memref<128x64xf32, #tpu.memory_space<vmem>>)
      %dma_wait3A_156 = arith.constant 2 : i32
      %dma_wait3A_157 = arith.constant 256 : i32
      %dma_wait3A_158 = arith.constant 0 : i32
      %dma_wait3A_159 = tpu.memref_slice %arg8[%dma_wait3A_157, %dma_wait3A_158] : memref<512x64xf32, #tpu.memory_space<vmem>> -> memref<128x64xf32, #tpu.memory_space<vmem>>
      %dma_wait3A_160 = arith.constant 0 : i32
      %dma_wait3A_161 = tpu.memref_slice %arg6[%dma_wait3A_156, %dma_wait3A_160] : memref<4x128xi32, #tpu.memory_space<vmem>> -> memref<1x128xi32, #tpu.memory_space<vmem>>
      %dma_wait3A_162 = tpu.memref_squeeze %dma_wait3A_161 : memref<1x128xi32, #tpu.memory_space<vmem>> -> memref<128xi32, #tpu.memory_space<vmem>>
      %dma_wait3A_163 = arith.constant 0 : i32
      %dma_wait3A_164 = arith.constant 0 : i32
      %dma_wait3A_165 = tpu.memref_slice %arg3[%dma_wait3A_163, %dma_wait3A_164] : memref<1000000x64xf32, #tpu.memory_space<hbm>> -> memref<1000000x64xf32, #tpu.memory_space<hbm>>
      tpu.wait_indirect_dma semaphore(%arg10 : memref<!tpu.dma_semaphore, #tpu.memory_space<semaphore_mem>>) src(%dma_wait3A_165 : memref<1000000x64xf32, #tpu.memory_space<hbm>>) dst(%dma_wait3A_159 : memref<128x64xf32, #tpu.memory_space<vmem>>)
      %dma_wait3A_166 = arith.constant 3 : i32
      %dma_wait3A_167 = arith.constant 384 : i32
      %dma_wait3A_168 = arith.constant 0 : i32
      %dma_wait3A_169 = tpu.memref_slice %arg8[%dma_wait3A_167, %dma_wait3A_168] : memref<512x64xf32, #tpu.memory_space<vmem>> -> memref<128x64xf32, #tpu.memory_space<vmem>>
      %dma_wait3A_170 = arith.constant 0 : i32
      %dma_wait3A_171 = tpu.memref_slice %arg6[%dma_wait3A_166, %dma_wait3A_170] : memref<4x128xi32, #tpu.memory_space<vmem>> -> memref<1x128xi32, #tpu.memory_space<vmem>>
      %dma_wait3A_172 = tpu.memref_squeeze %dma_wait3A_171 : memref<1x128xi32, #tpu.memory_space<vmem>> -> memref<128xi32, #tpu.memory_space<vmem>>
      %dma_wait3A_173 = arith.constant 0 : i32
      %dma_wait3A_174 = arith.constant 0 : i32
      %dma_wait3A_175 = tpu.memref_slice %arg3[%dma_wait3A_173, %dma_wait3A_174] : memref<1000000x64xf32, #tpu.memory_space<hbm>> -> memref<1000000x64xf32, #tpu.memory_space<hbm>>
      tpu.wait_indirect_dma semaphore(%arg10 : memref<!tpu.dma_semaphore, #tpu.memory_space<semaphore_mem>>) src(%dma_wait3A_175 : memref<1000000x64xf32, #tpu.memory_space<hbm>>) dst(%dma_wait3A_169 : memref<128x64xf32, #tpu.memory_space<vmem>>)
      %scan3A_176 = arith.constant 0 : i32
      %scan3A_177 = arith.constant 0 : i32
      %scan3A_178 = arith.constant 512 : i32
      %scan3A_179 = arith.addi %scan3A_177, %scan3A_178 : i32
      %scan3A_180 = arith.constant 8 : i32
      scf.for %scan3A_189 = %scan3A_177 to %scan3A_179 step %scan3A_180  : i32 {
        %get3A = arith.index_cast %scan3A_189 : i32 to index
        %get3A_190 = arith.constant 0 : index
        %get3A_191 = tpu.vector_load %arg8[%get3A, %get3A_190] {strides = array<i32>} : memref<512x64xf32, #tpu.memory_space<vmem>>, vector<1x16xf32>,
        %get3A_192 = vector.shape_cast %get3A_191 : vector<1x16xf32> to vector<16xf32>
        %mul3A_193 = arith.constant 8.000000e+00 : f32
        %mul3A_194 = vector.broadcast %mul3A_193 : f32 to vector<16xf32>
        %mul3A_195 = arith.mulf %get3A_192, %mul3A_194 : vector<16xf32>
        %swap3A = arith.index_cast %scan3A_189 : i32 to index
        %swap3A_196 = arith.constant 0 : index
        %swap3A_197 = tpu.vector_load %arg8[%swap3A, %swap3A_196] {strides = array<i32>} : memref<512x64xf32, #tpu.memory_space<vmem>>, vector<1x16xf32>,
        %swap3A_198 = vector.shape_cast %swap3A_197 : vector<1x16xf32> to vector<16xf32>
        %swap3A_199 = vector.shape_cast %mul3A_195 : vector<16xf32> to vector<1x16xf32>
        tpu.vector_store %arg8[%swap3A, %swap3A_196], %swap3A_199 {strides = array<i32>} : memref<512x64xf32, #tpu.memory_space<vmem>>, vector<1x16xf32>,
        %get3A_200 = arith.index_cast %scan3A_189 : i32 to index
        %get3A_201 = arith.constant 16 : index
        %get3A_202 = tpu.vector_load %arg8[%get3A_200, %get3A_201] {strides = array<i32>} : memref<512x64xf32, #tpu.memory_space<vmem>>, vector<1x16xf32>,
        %get3A_203 = vector.shape_cast %get3A_202 : vector<1x16xf32> to vector<16xf32>
        %mul3A_204 = arith.constant 8.000000e+00 : f32
        %mul3A_205 = vector.broadcast %mul3A_204 : f32 to vector<16xf32>
        %mul3A_206 = arith.mulf %get3A_203, %mul3A_205 : vector<16xf32>
        %swap3A_207 = arith.index_cast %scan3A_189 : i32 to index
        %swap3A_208 = arith.constant 16 : index
        %swap3A_209 = tpu.vector_load %arg8[%swap3A_207, %swap3A_208] {strides = array<i32>} : memref<512x64xf32, #tpu.memory_space<vmem>>, vector<1x16xf32>,
        %swap3A_210 = vector.shape_cast %swap3A_209 : vector<1x16xf32> to vector<16xf32>
        %swap3A_211 = vector.shape_cast %mul3A_206 : vector<16xf32> to vector<1x16xf32>
        tpu.vector_store %arg8[%swap3A_207, %swap3A_208], %swap3A_211 {strides = array<i32>} : memref<512x64xf32, #tpu.memory_space<vmem>>, vector<1x16xf32>,
        %get3A_212 = arith.index_cast %scan3A_189 : i32 to index
        %get3A_213 = arith.constant 32 : index
        %get3A_214 = tpu.vector_load %arg8[%get3A_212, %get3A_213] {strides = array<i32>} : memref<512x64xf32, #tpu.memory_space<vmem>>, vector<1x16xf32>,
        %get3A_215 = vector.shape_cast %get3A_214 : vector<1x16xf32> to vector<16xf32>
        %mul3A_216 = arith.constant 8.000000e+00 : f32
        %mul3A_217 = vector.broadcast %mul3A_216 : f32 to vector<16xf32>
        %mul3A_218 = arith.mulf %get3A_215, %mul3A_217 : vector<16xf32>
        %swap3A_219 = arith.index_cast %scan3A_189 : i32 to index
        %swap3A_220 = arith.constant 32 : index
        %swap3A_221 = tpu.vector_load %arg8[%swap3A_219, %swap3A_220] {strides = array<i32>} : memref<512x64xf32, #tpu.memory_space<vmem>>, vector<1x16xf32>,
        %swap3A_222 = vector.shape_cast %swap3A_221 : vector<1x16xf32> to vector<16xf32>
        %swap3A_223 = vector.shape_cast %mul3A_218 : vector<16xf32> to vector<1x16xf32>
        tpu.vector_store %arg8[%swap3A_219, %swap3A_220], %swap3A_223 {strides = array<i32>} : memref<512x64xf32, #tpu.memory_space<vmem>>, vector<1x16xf32>,
        %get3A_224 = arith.index_cast %scan3A_189 : i32 to index
        %get3A_225 = arith.constant 48 : index
        %get3A_226 = tpu.vector_load %arg8[%get3A_224, %get3A_225] {strides = array<i32>} : memref<512x64xf32, #tpu.memory_space<vmem>>, vector<1x16xf32>,
        %get3A_227 = vector.shape_cast %get3A_226 : vector<1x16xf32> to vector<16xf32>
        %mul3A_228 = arith.constant 8.000000e+00 : f32
        %mul3A_229 = vector.broadcast %mul3A_228 : f32 to vector<16xf32>
        %mul3A_230 = arith.mulf %get3A_227, %mul3A_229 : vector<16xf32>
        %swap3A_231 = arith.index_cast %scan3A_189 : i32 to index
        %swap3A_232 = arith.constant 48 : index
        %swap3A_233 = tpu.vector_load %arg8[%swap3A_231, %swap3A_232] {strides = array<i32>} : memref<512x64xf32, #tpu.memory_space<vmem>>, vector<1x16xf32>,
        %swap3A_234 = vector.shape_cast %swap3A_233 : vector<1x16xf32> to vector<16xf32>
        %swap3A_235 = vector.shape_cast %mul3A_230 : vector<16xf32> to vector<1x16xf32>
        tpu.vector_store %arg8[%swap3A_231, %swap3A_232], %swap3A_235 {strides = array<i32>} : memref<512x64xf32, #tpu.memory_space<vmem>>, vector<1x16xf32>,
        %scan3A_236 = arith.constant 1 : i32
        %scan3A_237 = arith.addi %scan3A_189, %scan3A_236 : i32
        %get3A_238 = arith.index_cast %scan3A_237 : i32 to index
        %get3A_239 = arith.constant 0 : index
        %get3A_240 = tpu.vector_load %arg8[%get3A_238, %get3A_239] {strides = array<i32>} : memref<512x64xf32, #tpu.memory_space<vmem>>, vector<1x16xf32>,
        %get3A_241 = vector.shape_cast %get3A_240 : vector<1x16xf32> to vector<16xf32>
        %mul3A_242 = arith.constant 8.000000e+00 : f32
        %mul3A_243 = vector.broadcast %mul3A_242 : f32 to vector<16xf32>
        %mul3A_244 = arith.mulf %get3A_241, %mul3A_243 : vector<16xf32>
        %swap3A_245 = arith.index_cast %scan3A_237 : i32 to index
        %swap3A_246 = arith.constant 0 : index
        %swap3A_247 = tpu.vector_load %arg8[%swap3A_245, %swap3A_246] {strides = array<i32>} : memref<512x64xf32, #tpu.memory_space<vmem>>, vector<1x16xf32>,
        %swap3A_248 = vector.shape_cast %swap3A_247 : vector<1x16xf32> to vector<16xf32>
        %swap3A_249 = vector.shape_cast %mul3A_244 : vector<16xf32> to vector<1x16xf32>
        tpu.vector_store %arg8[%swap3A_245, %swap3A_246], %swap3A_249 {strides = array<i32>} : memref<512x64xf32, #tpu.memory_space<vmem>>, vector<1x16xf32>,
        %get3A_250 = arith.index_cast %scan3A_237 : i32 to index
        %get3A_251 = arith.constant 16 : index
        %get3A_252 = tpu.vector_load %arg8[%get3A_250, %get3A_251] {strides = array<i32>} : memref<512x64xf32, #tpu.memory_space<vmem>>, vector<1x16xf32>,
        %get3A_253 = vector.shape_cast %get3A_252 : vector<1x16xf32> to vector<16xf32>
        %mul3A_254 = arith.constant 8.000000e+00 : f32
        %mul3A_255 = vector.broadcast %mul3A_254 : f32 to vector<16xf32>
        %mul3A_256 = arith.mulf %get3A_253, %mul3A_255 : vector<16xf32>
        %swap3A_257 = arith.index_cast %scan3A_237 : i32 to index
        %swap3A_258 = arith.constant 16 : index
        %swap3A_259 = tpu.vector_load %arg8[%swap3A_257, %swap3A_258] {strides = array<i32>} : memref<512x64xf32, #tpu.memory_space<vmem>>, vector<1x16xf32>,
        %swap3A_260 = vector.shape_cast %swap3A_259 : vector<1x16xf32> to vector<16xf32>
        %swap3A_261 = vector.shape_cast %mul3A_256 : vector<16xf32> to vector<1x16xf32>
        tpu.vector_store %arg8[%swap3A_257, %swap3A_258], %swap3A_261 {strides = array<i32>} : memref<512x64xf32, #tpu.memory_space<vmem>>, vector<1x16xf32>,
        %get3A_262 = arith.index_cast %scan3A_237 : i32 to index
        %get3A_263 = arith.constant 32 : index
        %get3A_264 = tpu.vector_load %arg8[%get3A_262, %get3A_263] {strides = array<i32>} : memref<512x64xf32, #tpu.memory_space<vmem>>, vector<1x16xf32>,
        %get3A_265 = vector.shape_cast %get3A_264 : vector<1x16xf32> to vector<16xf32>
        %mul3A_266 = arith.constant 8.000000e+00 : f32
        %mul3A_267 = vector.broadcast %mul3A_266 : f32 to vector<16xf32>
        %mul3A_268 = arith.mulf %get3A_265, %mul3A_267 : vector<16xf32>
        %swap3A_269 = arith.index_cast %scan3A_237 : i32 to index
        %swap3A_270 = arith.constant 32 : index
        %swap3A_271 = tpu.vector_load %arg8[%swap3A_269, %swap3A_270] {strides = array<i32>} : memref<512x64xf32, #tpu.memory_space<vmem>>, vector<1x16xf32>,
        %swap3A_272 = vector.shape_cast %swap3A_271 : vector<1x16xf32> to vector<16xf32>
        %swap3A_273 = vector.shape_cast %mul3A_268 : vector<16xf32> to vector<1x16xf32>
        tpu.vector_store %arg8[%swap3A_269, %swap3A_270], %swap3A_273 {strides = array<i32>} : memref<512x64xf32, #tpu.memory_space<vmem>>, vector<1x16xf32>,
        %get3A_274 = arith.index_cast %scan3A_237 : i32 to index
        %get3A_275 = arith.constant 48 : index
        %get3A_276 = tpu.vector_load %arg8[%get3A_274, %get3A_275] {strides = array<i32>} : memref<512x64xf32, #tpu.memory_space<vmem>>, vector<1x16xf32>,
        %get3A_277 = vector.shape_cast %get3A_276 : vector<1x16xf32> to vector<16xf32>
        %mul3A_278 = arith.constant 8.000000e+00 : f32
        %mul3A_279 = vector.broadcast %mul3A_278 : f32 to vector<16xf32>
        %mul3A_280 = arith.mulf %get3A_277, %mul3A_279 : vector<16xf32>
        %swap3A_281 = arith.index_cast %scan3A_237 : i32 to index
        %swap3A_282 = arith.constant 48 : index
        %swap3A_283 = tpu.vector_load %arg8[%swap3A_281, %swap3A_282] {strides = array<i32>} : memref<512x64xf32, #tpu.memory_space<vmem>>, vector<1x16xf32>,
        %swap3A_284 = vector.shape_cast %swap3A_283 : vector<1x16xf32> to vector<16xf32>
        %swap3A_285 = vector.shape_cast %mul3A_280 : vector<16xf32> to vector<1x16xf32>
        tpu.vector_store %arg8[%swap3A_281, %swap3A_282], %swap3A_285 {strides = array<i32>} : memref<512x64xf32, #tpu.memory_space<vmem>>, vector<1x16xf32>,
        %scan3A_286 = arith.constant 2 : i32
        %scan3A_287 = arith.addi %scan3A_189, %scan3A_286 : i32
        %get3A_288 = arith.index_cast %scan3A_287 : i32 to index
        %get3A_289 = arith.constant 0 : index
        %get3A_290 = tpu.vector_load %arg8[%get3A_288, %get3A_289] {strides = array<i32>} : memref<512x64xf32, #tpu.memory_space<vmem>>, vector<1x16xf32>,
        %get3A_291 = vector.shape_cast %get3A_290 : vector<1x16xf32> to vector<16xf32>
        %mul3A_292 = arith.constant 8.000000e+00 : f32
        %mul3A_293 = vector.broadcast %mul3A_292 : f32 to vector<16xf32>
        %mul3A_294 = arith.mulf %get3A_291, %mul3A_293 : vector<16xf32>
        %swap3A_295 = arith.index_cast %scan3A_287 : i32 to index
        %swap3A_296 = arith.constant 0 : index
        %swap3A_297 = tpu.vector_load %arg8[%swap3A_295, %swap3A_296] {strides = array<i32>} : memref<512x64xf32, #tpu.memory_space<vmem>>, vector<1x16xf32>,
        %swap3A_298 = vector.shape_cast %swap3A_297 : vector<1x16xf32> to vector<16xf32>
        %swap3A_299 = vector.shape_cast %mul3A_294 : vector<16xf32> to vector<1x16xf32>
        tpu.vector_store %arg8[%swap3A_295, %swap3A_296], %swap3A_299 {strides = array<i32>} : memref<512x64xf32, #tpu.memory_space<vmem>>, vector<1x16xf32>,
        %get3A_300 = arith.index_cast %scan3A_287 : i32 to index
        %get3A_301 = arith.constant 16 : index
        %get3A_302 = tpu.vector_load %arg8[%get3A_300, %get3A_301] {strides = array<i32>} : memref<512x64xf32, #tpu.memory_space<vmem>>, vector<1x16xf32>,
        %get3A_303 = vector.shape_cast %get3A_302 : vector<1x16xf32> to vector<16xf32>
        %mul3A_304 = arith.constant 8.000000e+00 : f32
        %mul3A_305 = vector.broadcast %mul3A_304 : f32 to vector<16xf32>
        %mul3A_306 = arith.mulf %get3A_303, %mul3A_305 : vector<16xf32>
        %swap3A_307 = arith.index_cast %scan3A_287 : i32 to index
        %swap3A_308 = arith.constant 16 : index
        %swap3A_309 = tpu.vector_load %arg8[%swap3A_307, %swap3A_308] {strides = array<i32>} : memref<512x64xf32, #tpu.memory_space<vmem>>, vector<1x16xf32>,
        %swap3A_310 = vector.shape_cast %swap3A_309 : vector<1x16xf32> to vector<16xf32>
        %swap3A_311 = vector.shape_cast %mul3A_306 : vector<16xf32> to vector<1x16xf32>
        tpu.vector_store %arg8[%swap3A_307, %swap3A_308], %swap3A_311 {strides = array<i32>} : memref<512x64xf32, #tpu.memory_space<vmem>>, vector<1x16xf32>,
        %get3A_312 = arith.index_cast %scan3A_287 : i32 to index
        %get3A_313 = arith.constant 32 : index
        %get3A_314 = tpu.vector_load %arg8[%get3A_312, %get3A_313] {strides = array<i32>} : memref<512x64xf32, #tpu.memory_space<vmem>>, vector<1x16xf32>,
        %get3A_315 = vector.shape_cast %get3A_314 : vector<1x16xf32> to vector<16xf32>
        %mul3A_316 = arith.constant 8.000000e+00 : f32
        %mul3A_317 = vector.broadcast %mul3A_316 : f32 to vector<16xf32>
        %mul3A_318 = arith.mulf %get3A_315, %mul3A_317 : vector<16xf32>
        %swap3A_319 = arith.index_cast %scan3A_287 : i32 to index
        %swap3A_320 = arith.constant 32 : index
        %swap3A_321 = tpu.vector_load %arg8[%swap3A_319, %swap3A_320] {strides = array<i32>} : memref<512x64xf32, #tpu.memory_space<vmem>>, vector<1x16xf32>,
        %swap3A_322 = vector.shape_cast %swap3A_321 : vector<1x16xf32> to vector<16xf32>
        %swap3A_323 = vector.shape_cast %mul3A_318 : vector<16xf32> to vector<1x16xf32>
        tpu.vector_store %arg8[%swap3A_319, %swap3A_320], %swap3A_323 {strides = array<i32>} : memref<512x64xf32, #tpu.memory_space<vmem>>, vector<1x16xf32>,
        %get3A_324 = arith.index_cast %scan3A_287 : i32 to index
        %get3A_325 = arith.constant 48 : index
        %get3A_326 = tpu.vector_load %arg8[%get3A_324, %get3A_325] {strides = array<i32>} : memref<512x64xf32, #tpu.memory_space<vmem>>, vector<1x16xf32>,
        %get3A_327 = vector.shape_cast %get3A_326 : vector<1x16xf32> to vector<16xf32>
        %mul3A_328 = arith.constant 8.000000e+00 : f32
        %mul3A_329 = vector.broadcast %mul3A_328 : f32 to vector<16xf32>
        %mul3A_330 = arith.mulf %get3A_327, %mul3A_329 : vector<16xf32>
        %swap3A_331 = arith.index_cast %scan3A_287 : i32 to index
        %swap3A_332 = arith.constant 48 : index
        %swap3A_333 = tpu.vector_load %arg8[%swap3A_331, %swap3A_332] {strides = array<i32>} : memref<512x64xf32, #tpu.memory_space<vmem>>, vector<1x16xf32>,
        %swap3A_334 = vector.shape_cast %swap3A_333 : vector<1x16xf32> to vector<16xf32>
        %swap3A_335 = vector.shape_cast %mul3A_330 : vector<16xf32> to vector<1x16xf32>
        tpu.vector_store %arg8[%swap3A_331, %swap3A_332], %swap3A_335 {strides = array<i32>} : memref<512x64xf32, #tpu.memory_space<vmem>>, vector<1x16xf32>,
        %scan3A_336 = arith.constant 3 : i32
        %scan3A_337 = arith.addi %scan3A_189, %scan3A_336 : i32
        %get3A_338 = arith.index_cast %scan3A_337 : i32 to index
        %get3A_339 = arith.constant 0 : index
        %get3A_340 = tpu.vector_load %arg8[%get3A_338, %get3A_339] {strides = array<i32>} : memref<512x64xf32, #tpu.memory_space<vmem>>, vector<1x16xf32>,
        %get3A_341 = vector.shape_cast %get3A_340 : vector<1x16xf32> to vector<16xf32>
        %mul3A_342 = arith.constant 8.000000e+00 : f32
        %mul3A_343 = vector.broadcast %mul3A_342 : f32 to vector<16xf32>
        %mul3A_344 = arith.mulf %get3A_341, %mul3A_343 : vector<16xf32>
        %swap3A_345 = arith.index_cast %scan3A_337 : i32 to index
        %swap3A_346 = arith.constant 0 : index
        %swap3A_347 = tpu.vector_load %arg8[%swap3A_345, %swap3A_346] {strides = array<i32>} : memref<512x64xf32, #tpu.memory_space<vmem>>, vector<1x16xf32>,
        %swap3A_348 = vector.shape_cast %swap3A_347 : vector<1x16xf32> to vector<16xf32>
        %swap3A_349 = vector.shape_cast %mul3A_344 : vector<16xf32> to vector<1x16xf32>
        tpu.vector_store %arg8[%swap3A_345, %swap3A_346], %swap3A_349 {strides = array<i32>} : memref<512x64xf32, #tpu.memory_space<vmem>>, vector<1x16xf32>,
        %get3A_350 = arith.index_cast %scan3A_337 : i32 to index
        %get3A_351 = arith.constant 16 : index
        %get3A_352 = tpu.vector_load %arg8[%get3A_350, %get3A_351] {strides = array<i32>} : memref<512x64xf32, #tpu.memory_space<vmem>>, vector<1x16xf32>,
        %get3A_353 = vector.shape_cast %get3A_352 : vector<1x16xf32> to vector<16xf32>
        %mul3A_354 = arith.constant 8.000000e+00 : f32
        %mul3A_355 = vector.broadcast %mul3A_354 : f32 to vector<16xf32>
        %mul3A_356 = arith.mulf %get3A_353, %mul3A_355 : vector<16xf32>
        %swap3A_357 = arith.index_cast %scan3A_337 : i32 to index
        %swap3A_358 = arith.constant 16 : index
        %swap3A_359 = tpu.vector_load %arg8[%swap3A_357, %swap3A_358] {strides = array<i32>} : memref<512x64xf32, #tpu.memory_space<vmem>>, vector<1x16xf32>,
        %swap3A_360 = vector.shape_cast %swap3A_359 : vector<1x16xf32> to vector<16xf32>
        %swap3A_361 = vector.shape_cast %mul3A_356 : vector<16xf32> to vector<1x16xf32>
        tpu.vector_store %arg8[%swap3A_357, %swap3A_358], %swap3A_361 {strides = array<i32>} : memref<512x64xf32, #tpu.memory_space<vmem>>, vector<1x16xf32>,
        %get3A_362 = arith.index_cast %scan3A_337 : i32 to index
        %get3A_363 = arith.constant 32 : index
        %get3A_364 = tpu.vector_load %arg8[%get3A_362, %get3A_363] {strides = array<i32>} : memref<512x64xf32, #tpu.memory_space<vmem>>, vector<1x16xf32>,
        %get3A_365 = vector.shape_cast %get3A_364 : vector<1x16xf32> to vector<16xf32>
        %mul3A_366 = arith.constant 8.000000e+00 : f32
        %mul3A_367 = vector.broadcast %mul3A_366 : f32 to vector<16xf32>
        %mul3A_368 = arith.mulf %get3A_365, %mul3A_367 : vector<16xf32>
        %swap3A_369 = arith.index_cast %scan3A_337 : i32 to index
        %swap3A_370 = arith.constant 32 : index
        %swap3A_371 = tpu.vector_load %arg8[%swap3A_369, %swap3A_370] {strides = array<i32>} : memref<512x64xf32, #tpu.memory_space<vmem>>, vector<1x16xf32>,
        %swap3A_372 = vector.shape_cast %swap3A_371 : vector<1x16xf32> to vector<16xf32>
        %swap3A_373 = vector.shape_cast %mul3A_368 : vector<16xf32> to vector<1x16xf32>
        tpu.vector_store %arg8[%swap3A_369, %swap3A_370], %swap3A_373 {strides = array<i32>} : memref<512x64xf32, #tpu.memory_space<vmem>>, vector<1x16xf32>,
        %get3A_374 = arith.index_cast %scan3A_337 : i32 to index
        %get3A_375 = arith.constant 48 : index
        %get3A_376 = tpu.vector_load %arg8[%get3A_374, %get3A_375] {strides = array<i32>} : memref<512x64xf32, #tpu.memory_space<vmem>>, vector<1x16xf32>,
        %get3A_377 = vector.shape_cast %get3A_376 : vector<1x16xf32> to vector<16xf32>
        %mul3A_378 = arith.constant 8.000000e+00 : f32
        %mul3A_379 = vector.broadcast %mul3A_378 : f32 to vector<16xf32>
        %mul3A_380 = arith.mulf %get3A_377, %mul3A_379 : vector<16xf32>
        %swap3A_381 = arith.index_cast %scan3A_337 : i32 to index
        %swap3A_382 = arith.constant 48 : index
        %swap3A_383 = tpu.vector_load %arg8[%swap3A_381, %swap3A_382] {strides = array<i32>} : memref<512x64xf32, #tpu.memory_space<vmem>>, vector<1x16xf32>,
        %swap3A_384 = vector.shape_cast %swap3A_383 : vector<1x16xf32> to vector<16xf32>
        %swap3A_385 = vector.shape_cast %mul3A_380 : vector<16xf32> to vector<1x16xf32>
        tpu.vector_store %arg8[%swap3A_381, %swap3A_382], %swap3A_385 {strides = array<i32>} : memref<512x64xf32, #tpu.memory_space<vmem>>, vector<1x16xf32>,
        %scan3A_386 = arith.constant 4 : i32
        %scan3A_387 = arith.addi %scan3A_189, %scan3A_386 : i32
        %get3A_388 = arith.index_cast %scan3A_387 : i32 to index
        %get3A_389 = arith.constant 0 : index
        %get3A_390 = tpu.vector_load %arg8[%get3A_388, %get3A_389] {strides = array<i32>} : memref<512x64xf32, #tpu.memory_space<vmem>>, vector<1x16xf32>,
        %get3A_391 = vector.shape_cast %get3A_390 : vector<1x16xf32> to vector<16xf32>
        %mul3A_392 = arith.constant 8.000000e+00 : f32
        %mul3A_393 = vector.broadcast %mul3A_392 : f32 to vector<16xf32>
        %mul3A_394 = arith.mulf %get3A_391, %mul3A_393 : vector<16xf32>
        %swap3A_395 = arith.index_cast %scan3A_387 : i32 to index
        %swap3A_396 = arith.constant 0 : index
        %swap3A_397 = tpu.vector_load %arg8[%swap3A_395, %swap3A_396] {strides = array<i32>} : memref<512x64xf32, #tpu.memory_space<vmem>>, vector<1x16xf32>,
        %swap3A_398 = vector.shape_cast %swap3A_397 : vector<1x16xf32> to vector<16xf32>
        %swap3A_399 = vector.shape_cast %mul3A_394 : vector<16xf32> to vector<1x16xf32>
        tpu.vector_store %arg8[%swap3A_395, %swap3A_396], %swap3A_399 {strides = array<i32>} : memref<512x64xf32, #tpu.memory_space<vmem>>, vector<1x16xf32>,
        %get3A_400 = arith.index_cast %scan3A_387 : i32 to index
        %get3A_401 = arith.constant 16 : index
        %get3A_402 = tpu.vector_load %arg8[%get3A_400, %get3A_401] {strides = array<i32>} : memref<512x64xf32, #tpu.memory_space<vmem>>, vector<1x16xf32>,
        %get3A_403 = vector.shape_cast %get3A_402 : vector<1x16xf32> to vector<16xf32>
        %mul3A_404 = arith.constant 8.000000e+00 : f32
        %mul3A_405 = vector.broadcast %mul3A_404 : f32 to vector<16xf32>
        %mul3A_406 = arith.mulf %get3A_403, %mul3A_405 : vector<16xf32>
        %swap3A_407 = arith.index_cast %scan3A_387 : i32 to index
        %swap3A_408 = arith.constant 16 : index
        %swap3A_409 = tpu.vector_load %arg8[%swap3A_407, %swap3A_408] {strides = array<i32>} : memref<512x64xf32, #tpu.memory_space<vmem>>, vector<1x16xf32>,
        %swap3A_410 = vector.shape_cast %swap3A_409 : vector<1x16xf32> to vector<16xf32>
        %swap3A_411 = vector.shape_cast %mul3A_406 : vector<16xf32> to vector<1x16xf32>
        tpu.vector_store %arg8[%swap3A_407, %swap3A_408], %swap3A_411 {strides = array<i32>} : memref<512x64xf32, #tpu.memory_space<vmem>>, vector<1x16xf32>,
        %get3A_412 = arith.index_cast %scan3A_387 : i32 to index
        %get3A_413 = arith.constant 32 : index
        %get3A_414 = tpu.vector_load %arg8[%get3A_412, %get3A_413] {strides = array<i32>} : memref<512x64xf32, #tpu.memory_space<vmem>>, vector<1x16xf32>,
        %get3A_415 = vector.shape_cast %get3A_414 : vector<1x16xf32> to vector<16xf32>
        %mul3A_416 = arith.constant 8.000000e+00 : f32
        %mul3A_417 = vector.broadcast %mul3A_416 : f32 to vector<16xf32>
        %mul3A_418 = arith.mulf %get3A_415, %mul3A_417 : vector<16xf32>
        %swap3A_419 = arith.index_cast %scan3A_387 : i32 to index
        %swap3A_420 = arith.constant 32 : index
        %swap3A_421 = tpu.vector_load %arg8[%swap3A_419, %swap3A_420] {strides = array<i32>} : memref<512x64xf32, #tpu.memory_space<vmem>>, vector<1x16xf32>,
        %swap3A_422 = vector.shape_cast %swap3A_421 : vector<1x16xf32> to vector<16xf32>
        %swap3A_423 = vector.shape_cast %mul3A_418 : vector<16xf32> to vector<1x16xf32>
        tpu.vector_store %arg8[%swap3A_419, %swap3A_420], %swap3A_423 {strides = array<i32>} : memref<512x64xf32, #tpu.memory_space<vmem>>, vector<1x16xf32>,
        %get3A_424 = arith.index_cast %scan3A_387 : i32 to index
        %get3A_425 = arith.constant 48 : index
        %get3A_426 = tpu.vector_load %arg8[%get3A_424, %get3A_425] {strides = array<i32>} : memref<512x64xf32, #tpu.memory_space<vmem>>, vector<1x16xf32>,
        %get3A_427 = vector.shape_cast %get3A_426 : vector<1x16xf32> to vector<16xf32>
        %mul3A_428 = arith.constant 8.000000e+00 : f32
        %mul3A_429 = vector.broadcast %mul3A_428 : f32 to vector<16xf32>
        %mul3A_430 = arith.mulf %get3A_427, %mul3A_429 : vector<16xf32>
        %swap3A_431 = arith.index_cast %scan3A_387 : i32 to index
        %swap3A_432 = arith.constant 48 : index
        %swap3A_433 = tpu.vector_load %arg8[%swap3A_431, %swap3A_432] {strides = array<i32>} : memref<512x64xf32, #tpu.memory_space<vmem>>, vector<1x16xf32>,
        %swap3A_434 = vector.shape_cast %swap3A_433 : vector<1x16xf32> to vector<16xf32>
        %swap3A_435 = vector.shape_cast %mul3A_430 : vector<16xf32> to vector<1x16xf32>
        tpu.vector_store %arg8[%swap3A_431, %swap3A_432], %swap3A_435 {strides = array<i32>} : memref<512x64xf32, #tpu.memory_space<vmem>>, vector<1x16xf32>,
        %scan3A_436 = arith.constant 5 : i32
        %scan3A_437 = arith.addi %scan3A_189, %scan3A_436 : i32
        %get3A_438 = arith.index_cast %scan3A_437 : i32 to index
        %get3A_439 = arith.constant 0 : index
        %get3A_440 = tpu.vector_load %arg8[%get3A_438, %get3A_439] {strides = array<i32>} : memref<512x64xf32, #tpu.memory_space<vmem>>, vector<1x16xf32>,
        %get3A_441 = vector.shape_cast %get3A_440 : vector<1x16xf32> to vector<16xf32>
        %mul3A_442 = arith.constant 8.000000e+00 : f32
        %mul3A_443 = vector.broadcast %mul3A_442 : f32 to vector<16xf32>
        %mul3A_444 = arith.mulf %get3A_441, %mul3A_443 : vector<16xf32>
        %swap3A_445 = arith.index_cast %scan3A_437 : i32 to index
        %swap3A_446 = arith.constant 0 : index
        %swap3A_447 = tpu.vector_load %arg8[%swap3A_445, %swap3A_446] {strides = array<i32>} : memref<512x64xf32, #tpu.memory_space<vmem>>, vector<1x16xf32>,
        %swap3A_448 = vector.shape_cast %swap3A_447 : vector<1x16xf32> to vector<16xf32>
        %swap3A_449 = vector.shape_cast %mul3A_444 : vector<16xf32> to vector<1x16xf32>
        tpu.vector_store %arg8[%swap3A_445, %swap3A_446], %swap3A_449 {strides = array<i32>} : memref<512x64xf32, #tpu.memory_space<vmem>>, vector<1x16xf32>,
        %get3A_450 = arith.index_cast %scan3A_437 : i32 to index
        %get3A_451 = arith.constant 16 : index
        %get3A_452 = tpu.vector_load %arg8[%get3A_450, %get3A_451] {strides = array<i32>} : memref<512x64xf32, #tpu.memory_space<vmem>>, vector<1x16xf32>,
        %get3A_453 = vector.shape_cast %get3A_452 : vector<1x16xf32> to vector<16xf32>
        %mul3A_454 = arith.constant 8.000000e+00 : f32
        %mul3A_455 = vector.broadcast %mul3A_454 : f32 to vector<16xf32>
        %mul3A_456 = arith.mulf %get3A_453, %mul3A_455 : vector<16xf32>
        %swap3A_457 = arith.index_cast %scan3A_437 : i32 to index
        %swap3A_458 = arith.constant 16 : index
        %swap3A_459 = tpu.vector_load %arg8[%swap3A_457, %swap3A_458] {strides = array<i32>} : memref<512x64xf32, #tpu.memory_space<vmem>>, vector<1x16xf32>,
        %swap3A_460 = vector.shape_cast %swap3A_459 : vector<1x16xf32> to vector<16xf32>
        %swap3A_461 = vector.shape_cast %mul3A_456 : vector<16xf32> to vector<1x16xf32>
        tpu.vector_store %arg8[%swap3A_457, %swap3A_458], %swap3A_461 {strides = array<i32>} : memref<512x64xf32, #tpu.memory_space<vmem>>, vector<1x16xf32>,
        %get3A_462 = arith.index_cast %scan3A_437 : i32 to index
        %get3A_463 = arith.constant 32 : index
        %get3A_464 = tpu.vector_load %arg8[%get3A_462, %get3A_463] {strides = array<i32>} : memref<512x64xf32, #tpu.memory_space<vmem>>, vector<1x16xf32>,
        %get3A_465 = vector.shape_cast %get3A_464 : vector<1x16xf32> to vector<16xf32>
        %mul3A_466 = arith.constant 8.000000e+00 : f32
        %mul3A_467 = vector.broadcast %mul3A_466 : f32 to vector<16xf32>
        %mul3A_468 = arith.mulf %get3A_465, %mul3A_467 : vector<16xf32>
        %swap3A_469 = arith.index_cast %scan3A_437 : i32 to index
        %swap3A_470 = arith.constant 32 : index
        %swap3A_471 = tpu.vector_load %arg8[%swap3A_469, %swap3A_470] {strides = array<i32>} : memref<512x64xf32, #tpu.memory_space<vmem>>, vector<1x16xf32>,
        %swap3A_472 = vector.shape_cast %swap3A_471 : vector<1x16xf32> to vector<16xf32>
        %swap3A_473 = vector.shape_cast %mul3A_468 : vector<16xf32> to vector<1x16xf32>
        tpu.vector_store %arg8[%swap3A_469, %swap3A_470], %swap3A_473 {strides = array<i32>} : memref<512x64xf32, #tpu.memory_space<vmem>>, vector<1x16xf32>,
        %get3A_474 = arith.index_cast %scan3A_437 : i32 to index
        %get3A_475 = arith.constant 48 : index
        %get3A_476 = tpu.vector_load %arg8[%get3A_474, %get3A_475] {strides = array<i32>} : memref<512x64xf32, #tpu.memory_space<vmem>>, vector<1x16xf32>,
        %get3A_477 = vector.shape_cast %get3A_476 : vector<1x16xf32> to vector<16xf32>
        %mul3A_478 = arith.constant 8.000000e+00 : f32
        %mul3A_479 = vector.broadcast %mul3A_478 : f32 to vector<16xf32>
        %mul3A_480 = arith.mulf %get3A_477, %mul3A_479 : vector<16xf32>
        %swap3A_481 = arith.index_cast %scan3A_437 : i32 to index
        %swap3A_482 = arith.constant 48 : index
        %swap3A_483 = tpu.vector_load %arg8[%swap3A_481, %swap3A_482] {strides = array<i32>} : memref<512x64xf32, #tpu.memory_space<vmem>>, vector<1x16xf32>,
        %swap3A_484 = vector.shape_cast %swap3A_483 : vector<1x16xf32> to vector<16xf32>
        %swap3A_485 = vector.shape_cast %mul3A_480 : vector<16xf32> to vector<1x16xf32>
        tpu.vector_store %arg8[%swap3A_481, %swap3A_482], %swap3A_485 {strides = array<i32>} : memref<512x64xf32, #tpu.memory_space<vmem>>, vector<1x16xf32>,
        %scan3A_486 = arith.constant 6 : i32
        %scan3A_487 = arith.addi %scan3A_189, %scan3A_486 : i32
        %get3A_488 = arith.index_cast %scan3A_487 : i32 to index
        %get3A_489 = arith.constant 0 : index
        %get3A_490 = tpu.vector_load %arg8[%get3A_488, %get3A_489] {strides = array<i32>} : memref<512x64xf32, #tpu.memory_space<vmem>>, vector<1x16xf32>,
        %get3A_491 = vector.shape_cast %get3A_490 : vector<1x16xf32> to vector<16xf32>
        %mul3A_492 = arith.constant 8.000000e+00 : f32
        %mul3A_493 = vector.broadcast %mul3A_492 : f32 to vector<16xf32>
        %mul3A_494 = arith.mulf %get3A_491, %mul3A_493 : vector<16xf32>
        %swap3A_495 = arith.index_cast %scan3A_487 : i32 to index
        %swap3A_496 = arith.constant 0 : index
        %swap3A_497 = tpu.vector_load %arg8[%swap3A_495, %swap3A_496] {strides = array<i32>} : memref<512x64xf32, #tpu.memory_space<vmem>>, vector<1x16xf32>,
        %swap3A_498 = vector.shape_cast %swap3A_497 : vector<1x16xf32> to vector<16xf32>
        %swap3A_499 = vector.shape_cast %mul3A_494 : vector<16xf32> to vector<1x16xf32>
        tpu.vector_store %arg8[%swap3A_495, %swap3A_496], %swap3A_499 {strides = array<i32>} : memref<512x64xf32, #tpu.memory_space<vmem>>, vector<1x16xf32>,
        %get3A_500 = arith.index_cast %scan3A_487 : i32 to index
        %get3A_501 = arith.constant 16 : index
        %get3A_502 = tpu.vector_load %arg8[%get3A_500, %get3A_501] {strides = array<i32>} : memref<512x64xf32, #tpu.memory_space<vmem>>, vector<1x16xf32>,
        %get3A_503 = vector.shape_cast %get3A_502 : vector<1x16xf32> to vector<16xf32>
        %mul3A_504 = arith.constant 8.000000e+00 : f32
        %mul3A_505 = vector.broadcast %mul3A_504 : f32 to vector<16xf32>
        %mul3A_506 = arith.mulf %get3A_503, %mul3A_505 : vector<16xf32>
        %swap3A_507 = arith.index_cast %scan3A_487 : i32 to index
        %swap3A_508 = arith.constant 16 : index
        %swap3A_509 = tpu.vector_load %arg8[%swap3A_507, %swap3A_508] {strides = array<i32>} : memref<512x64xf32, #tpu.memory_space<vmem>>, vector<1x16xf32>,
        %swap3A_510 = vector.shape_cast %swap3A_509 : vector<1x16xf32> to vector<16xf32>
        %swap3A_511 = vector.shape_cast %mul3A_506 : vector<16xf32> to vector<1x16xf32>
        tpu.vector_store %arg8[%swap3A_507, %swap3A_508], %swap3A_511 {strides = array<i32>} : memref<512x64xf32, #tpu.memory_space<vmem>>, vector<1x16xf32>,
        %get3A_512 = arith.index_cast %scan3A_487 : i32 to index
        %get3A_513 = arith.constant 32 : index
        %get3A_514 = tpu.vector_load %arg8[%get3A_512, %get3A_513] {strides = array<i32>} : memref<512x64xf32, #tpu.memory_space<vmem>>, vector<1x16xf32>,
        %get3A_515 = vector.shape_cast %get3A_514 : vector<1x16xf32> to vector<16xf32>
        %mul3A_516 = arith.constant 8.000000e+00 : f32
        %mul3A_517 = vector.broadcast %mul3A_516 : f32 to vector<16xf32>
        %mul3A_518 = arith.mulf %get3A_515, %mul3A_517 : vector<16xf32>
        %swap3A_519 = arith.index_cast %scan3A_487 : i32 to index
        %swap3A_520 = arith.constant 32 : index
        %swap3A_521 = tpu.vector_load %arg8[%swap3A_519, %swap3A_520] {strides = array<i32>} : memref<512x64xf32, #tpu.memory_space<vmem>>, vector<1x16xf32>,
        %swap3A_522 = vector.shape_cast %swap3A_521 : vector<1x16xf32> to vector<16xf32>
        %swap3A_523 = vector.shape_cast %mul3A_518 : vector<16xf32> to vector<1x16xf32>
        tpu.vector_store %arg8[%swap3A_519, %swap3A_520], %swap3A_523 {strides = array<i32>} : memref<512x64xf32, #tpu.memory_space<vmem>>, vector<1x16xf32>,
        %get3A_524 = arith.index_cast %scan3A_487 : i32 to index
        %get3A_525 = arith.constant 48 : index
        %get3A_526 = tpu.vector_load %arg8[%get3A_524, %get3A_525] {strides = array<i32>} : memref<512x64xf32, #tpu.memory_space<vmem>>, vector<1x16xf32>,
        %get3A_527 = vector.shape_cast %get3A_526 : vector<1x16xf32> to vector<16xf32>
        %mul3A_528 = arith.constant 8.000000e+00 : f32
        %mul3A_529 = vector.broadcast %mul3A_528 : f32 to vector<16xf32>
        %mul3A_530 = arith.mulf %get3A_527, %mul3A_529 : vector<16xf32>
        %swap3A_531 = arith.index_cast %scan3A_487 : i32 to index
        %swap3A_532 = arith.constant 48 : index
        %swap3A_533 = tpu.vector_load %arg8[%swap3A_531, %swap3A_532] {strides = array<i32>} : memref<512x64xf32, #tpu.memory_space<vmem>>, vector<1x16xf32>,
        %swap3A_534 = vector.shape_cast %swap3A_533 : vector<1x16xf32> to vector<16xf32>
        %swap3A_535 = vector.shape_cast %mul3A_530 : vector<16xf32> to vector<1x16xf32>
        tpu.vector_store %arg8[%swap3A_531, %swap3A_532], %swap3A_535 {strides = array<i32>} : memref<512x64xf32, #tpu.memory_space<vmem>>, vector<1x16xf32>,
        %scan3A_536 = arith.constant 7 : i32
        %scan3A_537 = arith.addi %scan3A_189, %scan3A_536 : i32
        %get3A_538 = arith.index_cast %scan3A_537 : i32 to index
        %get3A_539 = arith.constant 0 : index
        %get3A_540 = tpu.vector_load %arg8[%get3A_538, %get3A_539] {strides = array<i32>} : memref<512x64xf32, #tpu.memory_space<vmem>>, vector<1x16xf32>,
        %get3A_541 = vector.shape_cast %get3A_540 : vector<1x16xf32> to vector<16xf32>
        %mul3A_542 = arith.constant 8.000000e+00 : f32
        %mul3A_543 = vector.broadcast %mul3A_542 : f32 to vector<16xf32>
        %mul3A_544 = arith.mulf %get3A_541, %mul3A_543 : vector<16xf32>
        %swap3A_545 = arith.index_cast %scan3A_537 : i32 to index
        %swap3A_546 = arith.constant 0 : index
        %swap3A_547 = tpu.vector_load %arg8[%swap3A_545, %swap3A_546] {strides = array<i32>} : memref<512x64xf32, #tpu.memory_space<vmem>>, vector<1x16xf32>,
        %swap3A_548 = vector.shape_cast %swap3A_547 : vector<1x16xf32> to vector<16xf32>
        %swap3A_549 = vector.shape_cast %mul3A_544 : vector<16xf32> to vector<1x16xf32>
        tpu.vector_store %arg8[%swap3A_545, %swap3A_546], %swap3A_549 {strides = array<i32>} : memref<512x64xf32, #tpu.memory_space<vmem>>, vector<1x16xf32>,
        %get3A_550 = arith.index_cast %scan3A_537 : i32 to index
        %get3A_551 = arith.constant 16 : index
        %get3A_552 = tpu.vector_load %arg8[%get3A_550, %get3A_551] {strides = array<i32>} : memref<512x64xf32, #tpu.memory_space<vmem>>, vector<1x16xf32>,
        %get3A_553 = vector.shape_cast %get3A_552 : vector<1x16xf32> to vector<16xf32>
        %mul3A_554 = arith.constant 8.000000e+00 : f32
        %mul3A_555 = vector.broadcast %mul3A_554 : f32 to vector<16xf32>
        %mul3A_556 = arith.mulf %get3A_553, %mul3A_555 : vector<16xf32>
        %swap3A_557 = arith.index_cast %scan3A_537 : i32 to index
        %swap3A_558 = arith.constant 16 : index
        %swap3A_559 = tpu.vector_load %arg8[%swap3A_557, %swap3A_558] {strides = array<i32>} : memref<512x64xf32, #tpu.memory_space<vmem>>, vector<1x16xf32>,
        %swap3A_560 = vector.shape_cast %swap3A_559 : vector<1x16xf32> to vector<16xf32>
        %swap3A_561 = vector.shape_cast %mul3A_556 : vector<16xf32> to vector<1x16xf32>
        tpu.vector_store %arg8[%swap3A_557, %swap3A_558], %swap3A_561 {strides = array<i32>} : memref<512x64xf32, #tpu.memory_space<vmem>>, vector<1x16xf32>,
        %get3A_562 = arith.index_cast %scan3A_537 : i32 to index
        %get3A_563 = arith.constant 32 : index
        %get3A_564 = tpu.vector_load %arg8[%get3A_562, %get3A_563] {strides = array<i32>} : memref<512x64xf32, #tpu.memory_space<vmem>>, vector<1x16xf32>,
        %get3A_565 = vector.shape_cast %get3A_564 : vector<1x16xf32> to vector<16xf32>
        %mul3A_566 = arith.constant 8.000000e+00 : f32
        %mul3A_567 = vector.broadcast %mul3A_566 : f32 to vector<16xf32>
        %mul3A_568 = arith.mulf %get3A_565, %mul3A_567 : vector<16xf32>
        %swap3A_569 = arith.index_cast %scan3A_537 : i32 to index
        %swap3A_570 = arith.constant 32 : index
        %swap3A_571 = tpu.vector_load %arg8[%swap3A_569, %swap3A_570] {strides = array<i32>} : memref<512x64xf32, #tpu.memory_space<vmem>>, vector<1x16xf32>,
        %swap3A_572 = vector.shape_cast %swap3A_571 : vector<1x16xf32> to vector<16xf32>
        %swap3A_573 = vector.shape_cast %mul3A_568 : vector<16xf32> to vector<1x16xf32>
        tpu.vector_store %arg8[%swap3A_569, %swap3A_570], %swap3A_573 {strides = array<i32>} : memref<512x64xf32, #tpu.memory_space<vmem>>, vector<1x16xf32>,
        %get3A_574 = arith.index_cast %scan3A_537 : i32 to index
        %get3A_575 = arith.constant 48 : index
        %get3A_576 = tpu.vector_load %arg8[%get3A_574, %get3A_575] {strides = array<i32>} : memref<512x64xf32, #tpu.memory_space<vmem>>, vector<1x16xf32>,
        %get3A_577 = vector.shape_cast %get3A_576 : vector<1x16xf32> to vector<16xf32>
        %mul3A_578 = arith.constant 8.000000e+00 : f32
        %mul3A_579 = vector.broadcast %mul3A_578 : f32 to vector<16xf32>
        %mul3A_580 = arith.mulf %get3A_577, %mul3A_579 : vector<16xf32>
        %swap3A_581 = arith.index_cast %scan3A_537 : i32 to index
        %swap3A_582 = arith.constant 48 : index
        %swap3A_583 = tpu.vector_load %arg8[%swap3A_581, %swap3A_582] {strides = array<i32>} : memref<512x64xf32, #tpu.memory_space<vmem>>, vector<1x16xf32>,
        %swap3A_584 = vector.shape_cast %swap3A_583 : vector<1x16xf32> to vector<16xf32>
        %swap3A_585 = vector.shape_cast %mul3A_580 : vector<16xf32> to vector<1x16xf32>
        tpu.vector_store %arg8[%swap3A_581, %swap3A_582], %swap3A_585 {strides = array<i32>} : memref<512x64xf32, #tpu.memory_space<vmem>>, vector<1x16xf32>,
      }
      %scan3A_181 = arith.constant 512 : i32
      %mul3A_182 = arith.constant 512 : i32
      %mul3A_183 = arith.muli %add3A_123, %mul3A_182 : i32
      %add3A_184 = arith.addi %mul3A_4, %mul3A_183 : i32
      %dma_start3A_185 = arith.constant 0 : i32
      %dma_start3A_186 = tpu.memref_slice %arg4[%add3A_184, %dma_start3A_185] : memref<819200x64xf32, #tpu.memory_space<hbm>> -> memref<512x64xf32, #tpu.memory_space<hbm>>
      %dma_start3A_187 = arith.constant 0 : i32
      %dma_start3A_188 = tpu.memref_slice %arg4[%add3A_184, %dma_start3A_187] : memref<819200x64xf32, #tpu.memory_space<hbm>> -> memref<512x64xf32, #tpu.memory_space<hbm>>
      tpu.enqueue_dma source(%arg8 : memref<512x64xf32, #tpu.memory_space<vmem>>) target(%dma_start3A_188 : memref<512x64xf32, #tpu.memory_space<hbm>>) target_semaphore(%arg12 : memref<!tpu.dma_semaphore, #tpu.memory_space<semaphore_mem>>)
    }
    %scan3A_50 = arith.constant 25 : i32
    %add3A_51 = arith.constant 25088 : i32
    %add3A_52 = arith.addi %mul3A_4, %add3A_51 : i32
    %dma_wait3A = arith.constant 0 : i32
    %dma_wait3A_53 = tpu.memref_slice %arg4[%add3A_52, %dma_wait3A] : memref<819200x64xf32, #tpu.memory_space<hbm>> -> memref<512x64xf32, #tpu.memory_space<hbm>>
    %dma_wait3A_54 = arith.constant 0 : i32
    %dma_wait3A_55 = tpu.memref_slice %arg4[%add3A_52, %dma_wait3A_54] : memref<819200x64xf32, #tpu.memory_space<hbm>> -> memref<512x64xf32, #tpu.memory_space<hbm>>
    tpu.wait_dma2 semaphore(%arg12 : memref<!tpu.dma_semaphore, #tpu.memory_space<semaphore_mem>>) src(%arg8 : memref<512x64xf32, #tpu.memory_space<vmem>>) dst(%dma_wait3A_55 : memref<512x64xf32, #tpu.memory_space<hbm>>)
    return
  }
}

</mosaic_0001>

<sc_bundles>
// kernel: kernel.3.cloned.1.call-start
scs
__scs_entry_jumppad:
0x0: {  	(pc) =	sbr.rel $0x88, $3  }
0x1: {  	(tag) =	ssettag $0x0;
	lr =	simm.s32 $0x1  }
0x2: {  	[smem:$0x3F9F] =	sst lr;
	_ =	strace $0xD0000000  }
0x3: {  	_ = 	snop  }
0x4: {  	_ = 	snop  }
0x5: {  	_ = 	snop  }
0x6: {  	_ = 	snop  }
0x7: {  	_ = 	snop  }
__scs_overlays_trampoline_lowered:
0x8: {  	[smem:$0x3FAE] =	sst s0  }
0x9: {  	[smem:$0x3FAF] =	sst s1  }
0xa: {  	[smem:$0x3FB0] =	sst s2  }
0xb: {  	[smem:$0x3FB1] =	sst s3  }
0xc: {  	[smem:$0x3FB2] =	sst s4  }
0xd: {  	[smem:$0x3FB3] =	sst s5  }
0xe: {  	[smem:$0x3FB4] =	sst s6  }
0xf: {  	[smem:$0x3FB5] =	sst s7  }
0x10: {  	[smem:$0x3FB6] =	sst s8  }
0x11: {  	[smem:$0x3FB7] =	sst s9;
	s0 =	simm.s32 @!p0 $0x0  }
0x12: {  	s1 =	sld [smem:$0x3F9D];
	s0 =	simm.s32 @p0 $0x1  }
0x13: {  	[smem:$0x3FB8] =	sst s0;
	s0 =	simm.s32 @!p1 $0x0  }
0x14: {  	s2 =	sld [smem:$0x3F9C];
	s0 =	simm.s32 @p1 $0x1  }
0x15: {  	[smem:$0x3FB9] =	sst s0;
	s0 =	simm.s32 @!p2 $0x0  }
0x16: {  	s3 =	sld [smem:$0x3FDB];
	s0 =	simm.s32 @p2 $0x1  }
0x17: {  	s4 =	simm.s32 $0x1BF5;
	[smem:$0x3FBB] =	sst s0  }
0x18: {  	s0 =	sld [smem:$0x3F9E];
	_ =	swait.ge [sflag:s4], $0x0  }
0x19: {  	s7 =	sld [smem:$0x3F9F]  }
0x1a: {  	s8 =	sadd.s32 $0xFFFFE003, lr  }
0x1b: {  	s9 =	sadd.s32 $0xFFFFFEF7, lr;
	s5 =	simm.s32 $0xFFFFFFFF;
	p2 =	slt.u32 s8, $0xFFFFF086  }
0x1c: {  	p1 =	slt.u32 s9, $0xF7A;
	s5 =	simm.s32 @!p2 $0x0  }
0x1d: {  	s5 =	simm.s32 @p1 $0x1;
	p0 =	seq.s32 s7, s2  }
0x1e: {  	s7 =	smul.u32 @!p0 $0xF7A, s2;
	p2 =	seq.s32 @!p0 s5, $0x0  }
0x1f: {  	s9 =	smul.u32 $0xF7A, s1;
	s8 =	simm.s32 @!p0 $0x1BF5;
	p2 =	por !p2, p0  }
0x20: {  	[sflag:s8] =	ssyncset.s32 @!p0 $0xFFFFF086;
	s6 =	sadd.s32 @!p0 s3, s7;
	s7 =	simm.s32 @!p0 $0x108  }
0x21: {  	s3 =	sadd.s32 s3, s9;
	s6 =	sadd.s32 @!p0 $0x88, s6;
	s7 =	simm.s32 @p2 $0x1082  }
0x22: {  	[simem:s7], [sflag:s8] =	dma.local @!p0 [hbm:s6], $0xF7A  }
0x23: {  	s9 =	sor.u32 $0xD0000000, s2;
	s6 =	simm.s32 $0x108;
	_ =	swait.ge @!p0 [sflag:s8], $0x0  }
0x24: {  	s3 =	sadd.s32 $0x88, s3;
	s6 =	simm.s32 @!p1 $0x1082;
	[sflag:s4] =	ssyncset.s32 $0xFFFFF086  }
0x25: {  	[simem:s6], [sflag:s4] =	dma.local [hbm:s3], $0xF7A  }
0x26: {  	[smem:$0x3F9F] =	sst s1;
	(tag) =	ssettag s2;
	_ =	strace s9  }
0x27: {  	s1 =	sld [smem:$0x3FAF]  }
0x28: {  	s2 =	sld [smem:$0x3FB0]  }
0x29: {  	s4 =	sld [smem:$0x3FB2]  }
0x2a: {  	p0 =	seq.s32 s5, $0x0;
	s5 =	sld [smem:$0x3FB3]  }
0x2b: {  	s6 =	sld [smem:$0x3FB4]  }
0x2c: {  	s7 =	sld [smem:$0x3FB5]  }
0x2d: {  	s3 =	simm.s32 $0x108;
	s8 =	sld [smem:$0x3FB6]  }
0x2e: {  	s3 =	simm.s32 @!p0 $0x1082;
	s9 =	sld [smem:$0x3FB7]  }
0x2f: {  	lr =	sadd.s32 s0, s3;
	s0 =	sld [smem:$0x3FAE]  }
0x30: {  	s3 =	sld [smem:$0x3FB1]  }
0x31: {  	[smem:$0x3FBA] =	sst s10  }
0x32: {  	s10 =	sld [smem:$0x3FB8];
	_ =	sdelay $0x3  }
0x33: {  	p0 =	seq.s32 s10, $0x1;
	s10 =	sld [smem:$0x3FBA];
	_ =	sdelay $0x3  }
0x34: {  	[smem:$0x3FBA] =	sst s10  }
0x35: {  	s10 =	sld [smem:$0x3FB9];
	_ =	sdelay $0x3  }
0x36: {  	p1 =	seq.s32 s10, $0x1;
	s10 =	sld [smem:$0x3FBA];
	_ =	sdelay $0x3  }
0x37: {  	[smem:$0x3FBA] =	sst s10  }
0x38: {  	s10 =	sld [smem:$0x3FBB]  }
0x39: {  	_ = 	snop;
	(pc) =	sbr.ind lr, $3  }
0x3a: {  	_ = 	snop  }
0x3b: {  	_ = 	snop  }
0x3c: {  	p2 =	seq.s32 s10, $0x1;
	s10 =	sld [smem:$0x3FBA]  }
0x3d: {  	_ =	shalt  }
0x3e: {  	_ =	shalt  }
0x3f: {  	_ =	shalt  }
0x40: {  	_ =	shalt  }
0x41: {  	_ =	shalt  }
0x42: {  	_ =	shalt  }
0x43: {  	_ =	shalt  }
0x44: {  	_ =	shalt  }
0x45: {  	_ =	shalt  }
0x46: {  	_ =	shalt  }
0x47: {  	_ =	shalt  }
0x48: {  	_ =	shalt  }
0x49: {  	_ =	shalt  }
0x4a: {  	_ =	shalt  }
0x4b: {  	_ =	shalt  }
0x4c: {  	_ =	shalt  }
0x4d: {  	_ =	shalt  }
0x4e: {  	_ =	shalt  }
0x4f: {  	_ =	shalt  }
0x50: {  	_ =	shalt  }
0x51: {  	_ =	shalt  }
0x52: {  	_ =	shalt  }
0x53: {  	_ =	shalt  }
0x54: {  	_ =	shalt  }
0x55: {  	_ =	shalt  }
0x56: {  	_ =	shalt  }
0x57: {  	_ =	shalt  }
0x58: {  	_ =	shalt  }
0x59: {  	_ =	shalt  }
0x5a: {  	_ =	shalt  }
0x5b: {  	_ =	shalt  }
0x5c: {  	_ =	shalt  }
0x5d: {  	_ =	shalt  }
0x5e: {  	_ =	shalt  }
0x5f: {  	_ =	shalt  }
0x60: {  	_ =	shalt  }
0x61: {  	_ =	shalt  }
0x62: {  	_ =	shalt  }
0x63: {  	_ =	shalt  }
0x64: {  	_ =	shalt  }
0x65: {  	_ =	shalt  }
0x66: {  	_ =	shalt  }
0x67: {  	_ =	shalt  }
0x68: {  	_ =	shalt  }
0x69: {  	_ =	shalt  }
0x6a: {  	_ =	shalt  }
0x6b: {  	_ =	shalt  }
0x6c: {  	_ =	shalt  }
0x6d: {  	_ =	shalt  }
0x6e: {  	_ =	shalt  }
0x6f: {  	_ =	shalt  }
0x70: {  	_ =	shalt  }
0x71: {  	_ =	shalt  }
0x72: {  	_ =	shalt  }
0x73: {  	_ =	shalt  }
0x74: {  	_ =	shalt  }
0x75: {  	_ =	shalt  }
0x76: {  	_ =	shalt  }
0x77: {  	_ =	shalt  }
0x78: {  	_ =	shalt  }
0x79: {  	_ =	shalt  }
0x7a: {  	_ =	shalt  }
0x7b: {  	_ =	shalt  }
0x7c: {  	_ =	shalt  }
0x7d: {  	_ =	shalt  }
0x7e: {  	_ =	shalt  }
0x7f: {  	_ =	shalt  }
0x80: {  	_ =	shalt  }
0x81: {  	_ =	shalt  }
0x82: {  	_ =	shalt  }
0x83: {  	_ =	shalt  }
0x84: {  	_ =	shalt  }
0x85: {  	_ =	shalt  }
0x86: {  	_ =	shalt  }
0x87: {  	_ =	shalt  }
.Lfunc_end0:
.L_simem_size_0:
called_computation.1_lowered:
.L_overlay_start_0:
0x88: {  	s2 =	sld [smem:$0x3FD9]  }
0x89: {  	s3 =	sld [smem:$0x3FFE];
	_ =	sdelay $0x1  }
0x8a: {  	s1 =	srdreg.scid  }
0x8b: {  	s0 =	sand.u32 $0x1, s1  }
0x8c: {  	s17 =	sshll.u32 s0, $0xA;
	s2 =	sadd.s32 s3, s2  }
0x8d: {  	s2 =	sadd.s32 s2, s17  }
0x8e: {  	[smem:$0x3FC6] =	sst s2  }
0x8f: {  	_ = 	snop  }
0x90: {  	s2 =	sld [smem:$0x3FD0];
	(tm) =	ssettm $0x1  }
0x91: {  	s18 =	sld [smem:$0x3FFB];
	_ =	sdelay $0x3  }
0x92: {  	_ =	strace s18  }
0x93: {  	s3 =	sld [smem:$0x3FFC];
	_ =	sdelay $0x3  }
0x94: {  	_ =	strace s3  }
0x95: {  	s3 =	sld [smem:$0x3FFD];
	_ =	sdelay $0x3  }
0x96: {  	_ =	strace s3  }
0x97: {  	_ =	strace $0x8FFFFFFF  }
0x98: {  	s19 =	sld [smem:$0x3FDB];
	_ =	sdelay $0x1  }
0x99: {  	s4 =	simm.s32 $_scs_section_size  }
0x9a: {  	s5 =	simm.s32 $_size__tile_overlayer_lowered;
	s6 =	simm.s32 $_tile_overlayer_lowered  }
0x9b: {  	s22 =	simm.s32 $0x1BFF;
	s21 =	sshll.u32 s6, $0x1;
	s3 =	sadd.s32 s4, s19  }
0x9c: {  	s7 =	simm.s32 $0x0;
	s20 =	sshll.u32 s5, $0x1;
	s5 =	sadd.s32 s21, s3  }
0x9d: {  	[timem:s7], [sflag:s22] =	dma.local [hbm:s5], s20  }
0x9e: {  	_ =	swait.ge [sflag:s22], s20  }
0x9f: {  	s4 =	ssub.s32 $0x0, s20;
	[sflag:s22] =	ssyncset.done $0x0  }
0xa0: {  	[sflag:s22] =	ssyncadd.s32 s4;
	_ =	sdelay $0x1  }
0xa1: {  	s23 =	simm.s32 $0x1B8B  }
0xa2: {  	_ =	swait.ge [sflag:s23], $0x1  }
0xa3: {  	[sflag:s23] =	ssyncset.done $0x0  }
0xa4: {  	s25 =	simm.s32 $0x1B8E;
	s24 =	sld [smem:$0x3FFE];
	[sflag:s23] =	ssyncadd.s32 $0xFFFFFFFF  }
0xa5: {  	s26 =	simm.s32 $execute0_lowered;
	[smem:$0x3FD2] =	sst s25  }
0xa6: {  	s5 =	sshll.u32 s26, $0x1;
	_ =	strace $0x80000046;
	[dreg:$0x1] =	wrdreg $0xFFFFFFFF  }
0xa7: {  	s28 =	simm.s32 $_size_execute0_lowered;
	s3 =	sadd.s32 s3, s5;
	[dreg:$0x0] =	wrdreg $0x0  }
0xa8: {  	s5 =	sshll.u32 s28, $0x1;
	[dreg:$0x2] =	wrdreg s3  }
0xa9: {  	[dreg:$0x3] =	wrdreg s5  }
0xaa: {  	[dreg:$0x4] =	wrdreg $0xC0  }
0xab: {  	_ =	task [dreg:s7], $0x5FFFF  }
0xac: {  	[dreg:$0x1] =	wrdreg $0xFFFFFFFF  }
0xad: {  	[dreg:$0x0] =	wrdreg $0x60  }
0xae: {  	[dreg:$0x2] =	wrdreg s24  }
0xaf: {  	[dreg:$0x3] =	wrdreg s2  }
0xb0: {  	[dreg:$0x4] =	wrdreg $0x9  }
0xb1: {  	_ =	task.clear_ibuf [dreg:s7], $0x5FFFF;
	_ =	strace $0x90000046  }
0xb2: {  	s29 =	simm.s32 $0x9;
	_ =	strace $0x80000048  }
0xb3: {  	_ =	swait.ge [sflag:s29], $0x1  }
0xb4: {  	[sflag:s29] =	ssyncadd.s32 $0xFFFFFFFF  }
0xb5: {  	_ =	strace $0x90000048  }
0xb6: {  	_ =	sfence  }
0xb7: {  	s30 =	sld [smem:$0x0];
	_ =	sdelay $0x2  }
0xb8: {  	s31 =	sshll.u32 s1, $0xD;
	s1 =	sshrl.u32 s1, $0x2  }
0xb9: {  	s3 =	sand.u32 $0x4000, s31;
	s1 =	sadd.s32 s1, s30  }
0xba: {  	s0 =	sor.u32 s3, s0;
	s1 =	sshll.u32 s1, $0x11  }
0xbb: {  	s0 =	sor.u32 s1, s0  }
0xbc: {  	s0 =	sadd.s32 $0x8F2B, s0  }
0xbd: {  	[sflag:s0] =	ssyncadd.remote.s32 $0x1  }
0xbe: {  	_ =	sfence.sel $0xFFFF  }
0xbf: {  	[dreg:$0x0] =	wrdreg $0xFFFFFFFF;
	(pc) =	sbr.abs _section_cstart, $3  }
0xc0: {  	[dreg:$0x1] =	wrdreg $0xFFFFFFFF  }
0xc1: {  	_ =	task.clear_ibuf [dreg:s7], $0x2FFFF;
	_ =	strace $0x9FFFFFFF  }
0xc2: {  	(tm) =	ssettm $0x7FFFFFFF  }
0xc3: {  	_ =	shalt  }
tec
execute0_lowered:
.L_overlay_start_1:
0x0: {  	(tag) =	ssettag $0x1  }
0x1: {  	s0 =	rddreg [dreg:$0x0]  }
0x2: {  	s2 =	rddreg [dreg:$0x1]  }
0x3: {  	s1 =	srdreg.scid;
	s4 =	stileid.u32  }
0x4: {  	s3 =	simm.s32 $0x0;
	s11 =	simm.s32 $0x5;
	s12 =	simm.s32 $0x80  }
0x5: {  	s13 =	simm.s32 $0x400;
	s19 =	simm.s32 $0x200;
	s20 =	simm.s32 $0x8400  }
0x6: {  	s21 =	simm.s32 $0x280;
	s22 =	simm.s32 $0xA400;
	s23 =	simm.s32 $0x300  }
0x7: {  	s24 =	simm.s32 $0xC400;
	s25 =	simm.s32 $0x380;
	s28 =	simm.s32 $0x1  }
0x8: {  	s29 =	simm.s32 $0x3;
	s30 =	simm.s32 $0x2;
	s31 =	simm.s32 $0x4  }
0x9: {  	s1 =	sand.u32 $0x1, s1;
	s4 =	sshll.u32 s4, $0x1;
	[smem:$0x7FF] =	sst s3  }
0xa: {  	s6 =	sadd.s32 $0xF42E00, s0;
	s8 =	sor.u32 s1, s4;
	_ =	strace $0x80000047  }
0xb: {  	s1 =	ssub.s32 $0x2, s1;
	s4 =	sadd.s32 $0xA00, s0;
	s7 =	smul.u32 $0xC80, s8  }
0xc: {  	s0 =	simm.s32 $0x0;
	s9 =	sshrl.u32 s1, $0x1;
	s5 =	smul.u32 $0x32, s8  }
0xd: {  	s8 =	smul.u32 $0x190000, s8;
	s26 =	ssub.s32 s1, s9;
	s7 =	sadd.s32 s4, s7  }
0xe: {  	s9 =	sadd.s32 $0x2, s5;
	s10 =	smax.u32 s26, $0x1;
	s26 =	simm.s32 $0xE400  }
.LBB2_1:
0xf: {  	[tilespmem:s3], [sflag:$0x5] =	stream.linear.gather [hbm4b:s7+s3], $0x200, $0x38;
	[tilespmem:$0x10400] =	vst v63  }
0x10: {  	_ =	swait.ge [sflag:s11], $0x200  }
0x11: {  	[sflag:s11] =	ssyncset.done $0x0  }
0x12: {  	[sflag:s11] =	ssyncadd.s32 $0xFFFFFE00  }
0x13: {  	[tilespmem:s13], [sflag:$0x1] =	stream.indirect.gather [hbm4b:s6+s12], $0x40, s3, s12, $0xb8;
	[tilespmem:$0x10400] =	vst v63  }
0x14: {  	s1 =	simm.s32 $0x2400  }
0x15: {  	[tilespmem:s1], [sflag:$0x1] =	stream.indirect.gather [hbm4b:s6+s12], $0x40, s12, s12, $0xb8;
	[tilespmem:$0x10400] =	vst v63  }
0x16: {  	s16 =	simm.s32 $0x100;
	s14 =	simm.s32 $0x4400  }
0x17: {  	[tilespmem:s14], [sflag:$0x1] =	stream.indirect.gather [hbm4b:s6+s12], $0x40, s16, s12, $0xb8;
	[tilespmem:$0x10400] =	vst v63  }
0x18: {  	s17 =	simm.s32 $0x180;
	s18 =	simm.s32 $0x6400;
	s1 =	simm.s32 $0x0  }
0x19: {  	[tilespmem:s18], [sflag:$0x1] =	stream.indirect.gather [hbm4b:s6+s12], $0x40, s17, s12, $0xb8;
	[tilespmem:$0x10400] =	vst v63  }
.LBB2_2:
0x1a: {  	s15 =	sshll.u32 s1, $0x1  }
0x1b: {  	p0 =	seq.s32 s1, $0x0;
	s14 =	sor.u32 $0x1, s15  }
0x1c: {  	s16 =	simm.s32 @!p0 $0x4;
	s17 =	sadd.s32 s5, s14  }
0x1d: {  	_ =	swait.ge @!p0 [sflag:s16], $0x8000;
	s17 =	sshll.u32 s17, $0x6  }
0x1e: {  	[sflag:s16] =	ssyncset.done @!p0 $0x0;
	s17 =	sand.u32 $0x1FFFFFC0, s17  }
0x1f: {  	[sflag:s16] =	ssyncadd.s32 @!p0 $0xFFFF8000;
	s18 =	sadd.s32 s4, s17  }
0x20: {  	[tilespmem:s19], [sflag:$0x5] =	stream.linear.gather [hbm4b:s18+s3], $0x200, $0x38;
	[tilespmem:$0x10400] =	vst v63  }
0x21: {  	_ =	swait.ge [sflag:s11], $0x200  }
0x22: {  	[sflag:s11] =	ssyncset.done $0x0  }
0x23: {  	[sflag:s11] =	ssyncadd.s32 $0xFFFFFE00  }
0x24: {  	[tilespmem:s20], [sflag:$0x2] =	stream.indirect.gather [hbm4b:s6+s12], $0x40, s19, s12, $0xb8;
	[tilespmem:$0x10400] =	vst v63  }
0x25: {  	_ = 	snop  }
0x26: {  	[tilespmem:s22], [sflag:$0x2] =	stream.indirect.gather [hbm4b:s6+s12], $0x40, s21, s12, $0xb8;
	[tilespmem:$0x10400] =	vst v63  }
0x27: {  	_ = 	snop  }
0x28: {  	[tilespmem:s24], [sflag:$0x2] =	stream.indirect.gather [hbm4b:s6+s12], $0x40, s23, s12, $0xb8;
	[tilespmem:$0x10400] =	vst v63  }
0x29: {  	_ = 	snop  }
0x2a: {  	[tilespmem:s26], [sflag:$0x2] =	stream.indirect.gather [hbm4b:s6+s12], $0x40, s25, s12, $0xb8;
	[tilespmem:$0x10400] =	vst v63  }
0x2b: {  	_ =	swait.ge [sflag:s28], $0x2000  }
0x2c: {  	[sflag:s28] =	ssyncset.done $0x0  }
0x2d: {  	[sflag:s28] =	ssyncadd.s32 $0xFFFFE000  }
0x2e: {  	_ =	swait.ge [sflag:s28], $0x2000  }
0x2f: {  	[sflag:s28] =	ssyncset.done $0x0  }
0x30: {  	[sflag:s28] =	ssyncadd.s32 $0xFFFFE000  }
0x31: {  	_ =	swait.ge [sflag:s28], $0x2000  }
0x32: {  	[sflag:s28] =	ssyncset.done $0x0  }
0x33: {  	[sflag:s28] =	ssyncadd.s32 $0xFFFFE000  }
0x34: {  	_ =	swait.ge [sflag:s28], $0x2000  }
0x35: {  	[sflag:s28] =	ssyncset.done $0x0  }
0x36: {  	s16 =	simm.s32 $0x500;
	[sflag:s28] =	ssyncadd.s32 $0xFFFFE000  }
0x37: {  	v0 =	vld [tilespmem:s16+$0xFFFFFF00]  }
0x38: {  	v1 =	vld [tilespmem:s16+$0xFFFFFF10]  }
0x39: {  	v2 =	vld [tilespmem:s16+$0xFFFFFF20]  }
0x3a: {  	v3 =	vld [tilespmem:s16+$0xFFFFFF30]  }
0x3b: {  	v4 =	vld [tilespmem:s16+$0xFFFFFF40]  }
0x3c: {  	v5 =	vld [tilespmem:s16+$0xFFFFFF50];
	v0 =	vmul.f32 $8.000000000e+00, v0  }
0x3d: {  	v6 =	vld [tilespmem:s16+$0xFFFFFF60];
	v1 =	vmul.f32 $8.000000000e+00, v1  }
0x3e: {  	[tilespmem:s16+$0xFFFFFF00] =	vst v0;
	v0 =	vmul.f32 $8.000000000e+00, v2;
	v2 =	vld [tilespmem:s16+$0xFFFFFF70]  }
0x3f: {  	[tilespmem:s16+$0xFFFFFF10] =	vst v1;
	v1 =	vmul.f32 $8.000000000e+00, v3;
	v3 =	vld [tilespmem:s16+$0xFFFFFF80]  }
0x40: {  	[tilespmem:s16+$0xFFFFFF20] =	vst v0;
	v0 =	vmul.f32 $8.000000000e+00, v4;
	v4 =	vld [tilespmem:s16+$0xFFFFFF90]  }
0x41: {  	[tilespmem:s16+$0xFFFFFF30] =	vst v1;
	v1 =	vmul.f32 $8.000000000e+00, v5;
	v5 =	vld [tilespmem:s16+$0xFFFFFFA0]  }
0x42: {  	[tilespmem:s16+$0xFFFFFF40] =	vst v0;
	v0 =	vmul.f32 $8.000000000e+00, v6;
	v6 =	vld [tilespmem:s16+$0xFFFFFFB0]  }
0x43: {  	[tilespmem:s16+$0xFFFFFF50] =	vst v1;
	v1 =	vmul.f32 $8.000000000e+00, v2;
	v2 =	vld [tilespmem:s16+$0xFFFFFFC0]  }
0x44: {  	[tilespmem:s16+$0xFFFFFF60] =	vst v0;
	v0 =	vmul.f32 $8.000000000e+00, v3;
	v3 =	vld [tilespmem:s16+$0xFFFFFFD0]  }
0x45: {  	[tilespmem:s16+$0xFFFFFF70] =	vst v1;
	v1 =	vmul.f32 $8.000000000e+00, v4;
	v4 =	vld [tilespmem:s16+$0xFFFFFFE0]  }
0x46: {  	[tilespmem:s16+$0xFFFFFF80] =	vst v0;
	v0 =	vmul.f32 $8.000000000e+00, v5;
	v5 =	vld [tilespmem:s16+$0x0]  }
0x47: {  	[tilespmem:s16+$0xFFFFFF90] =	vst v1;
	v1 =	vmul.f32 $8.000000000e+00, v6;
	v6 =	vld [tilespmem:s16+$0x10]  }
0x48: {  	[tilespmem:s16+$0xFFFFFFA0] =	vst v0;
	v0 =	vmul.f32 $8.000000000e+00, v2;
	v2 =	vld [tilespmem:s16+$0x20]  }
0x49: {  	[tilespmem:s16+$0xFFFFFFB0] =	vst v1;
	v1 =	vmul.f32 $8.000000000e+00, v3;
	v3 =	vld [tilespmem:s16+$0x30]  }
0x4a: {  	[tilespmem:s16+$0xFFFFFFC0] =	vst v0;
	v0 =	vmul.f32 $8.000000000e+00, v4;
	v4 =	vld [tilespmem:s16+$0x40]  }
0x4b: {  	[tilespmem:s16+$0xFFFFFFD0] =	vst v1;
	v1 =	vmul.f32 $8.000000000e+00, v5;
	v5 =	vld [tilespmem:s16+$0x50]  }
0x4c: {  	[tilespmem:s16+$0xFFFFFFE0] =	vst v0;
	v0 =	vmul.f32 $8.000000000e+00, v6;
	v6 =	vld [tilespmem:s16+$0x60]  }
0x4d: {  	[tilespmem:s16+$0x0] =	vst v1;
	v1 =	vmul.f32 $8.000000000e+00, v2;
	v2 =	vld [tilespmem:s16+$0x70]  }
0x4e: {  	[tilespmem:s16+$0x10] =	vst v0;
	v0 =	vmul.f32 $8.000000000e+00, v3;
	v3 =	vld [tilespmem:s16+$0x80]  }
0x4f: {  	[tilespmem:s16+$0x20] =	vst v1;
	v1 =	vmul.f32 $8.000000000e+00, v4;
	v4 =	vld [tilespmem:s16+$0x90]  }
0x50: {  	[tilespmem:s16+$0x30] =	vst v0;
	v0 =	vmul.f32 $8.000000000e+00, v5;
	v5 =	vld [tilespmem:s16+$0xA0]  }
0x51: {  	[tilespmem:s16+$0x40] =	vst v1;
	v1 =	vmul.f32 $8.000000000e+00, v6;
	v6 =	vld [tilespmem:s16+$0xB0]  }
0x52: {  	[tilespmem:s16+$0x50] =	vst v0;
	v2 =	vmul.f32 $8.000000000e+00, v2;
	v0 =	vld [tilespmem:s16+$0xC0]  }
0x53: {  	[tilespmem:s16+$0x60] =	vst v1;
	v3 =	vmul.f32 $8.000000000e+00, v3;
	v1 =	vld [tilespmem:s16+$0xD0]  }
0x54: {  	[tilespmem:s16+$0x70] =	vst v2;
	v7 =	vmul.f32 $8.000000000e+00, v4;
	v2 =	vld [tilespmem:s16+$0xE0]  }
0x55: {  	[tilespmem:s16+$0x80] =	vst v3;
	v3 =	vld [tilespmem:s16+$0xF0];
	v5 =	vmul.f32 $8.000000000e+00, v5  }
0x56: {  	s17 =	simm.s32 $0x0;
	s18 =	simm.s32 $0x700;
	v4 =	vld [tilespmem:s16+$0xFFFFFFF0];
	[tilespmem:s16+$0x90] =	vst v7;
	v6 =	vmul.f32 $8.000000000e+00, v6  }
.LBB2_3:
0x57: {  	v7 =	vld [tilespmem:s18+$0xFFFFFF00];
	[tilespmem:s16+$0xA0] =	vst v5;
	v0 =	vmul.f32 $8.000000000e+00, v0  }
0x58: {  	v5 =	vld [tilespmem:s18+$0xFFFFFF10];
	[tilespmem:s16+$0xB0] =	vst v6;
	v1 =	vmul.f32 $8.000000000e+00, v1  }
0x59: {  	v6 =	vld [tilespmem:s18+$0xFFFFFF20];
	[tilespmem:s16+$0xC0] =	vst v0;
	v0 =	vmul.f32 $8.000000000e+00, v2  }
0x5a: {  	v2 =	vld [tilespmem:s18+$0xFFFFFF30];
	[tilespmem:s16+$0xD0] =	vst v1;
	v1 =	vmul.f32 $8.000000000e+00, v3  }
0x5b: {  	v3 =	vld [tilespmem:s18+$0xFFFFFF40];
	v4 =	vmul.f32 $8.000000000e+00, v4;
	[tilespmem:s16+$0xE0] =	vst v0  }
0x5c: {  	v0 =	vmul.f32 $8.000000000e+00, v7;
	v7 =	vld [tilespmem:s18+$0xFFFFFF50];
	[tilespmem:s16+$0xF0] =	vst v1  }
0x5d: {  	v1 =	vmul.f32 $8.000000000e+00, v5;
	v5 =	vld [tilespmem:s18+$0xFFFFFF60];
	[tilespmem:s16+$0xFFFFFFF0] =	vst v4;
	s16 =	smov.u32 s18  }
0x5e: {  	[tilespmem:s18+$0xFFFFFF00] =	vst v0;
	v0 =	vmul.f32 $8.000000000e+00, v6;
	v4 =	vld [tilespmem:s18+$0xFFFFFF70]  }
0x5f: {  	[tilespmem:s18+$0xFFFFFF10] =	vst v1;
	v1 =	vmul.f32 $8.000000000e+00, v2;
	v2 =	vld [tilespmem:s18+$0xFFFFFF80]  }
0x60: {  	[tilespmem:s18+$0xFFFFFF20] =	vst v0;
	v0 =	vmul.f32 $8.000000000e+00, v3;
	v3 =	vld [tilespmem:s18+$0xFFFFFF90]  }
0x61: {  	[tilespmem:s18+$0xFFFFFF30] =	vst v1;
	v1 =	vmul.f32 $8.000000000e+00, v7;
	v6 =	vld [tilespmem:s18+$0xFFFFFFA0]  }
0x62: {  	[tilespmem:s18+$0xFFFFFF40] =	vst v0;
	v0 =	vmul.f32 $8.000000000e+00, v5;
	v5 =	vld [tilespmem:s18+$0xFFFFFFB0]  }
0x63: {  	[tilespmem:s18+$0xFFFFFF50] =	vst v1;
	v1 =	vmul.f32 $8.000000000e+00, v4;
	v4 =	vld [tilespmem:s18+$0xFFFFFFC0]  }
0x64: {  	[tilespmem:s18+$0xFFFFFF60] =	vst v0;
	v0 =	vmul.f32 $8.000000000e+00, v2;
	v2 =	vld [tilespmem:s18+$0xFFFFFFD0]  }
0x65: {  	[tilespmem:s18+$0xFFFFFF70] =	vst v1;
	v1 =	vmul.f32 $8.000000000e+00, v3;
	v3 =	vld [tilespmem:s18+$0xFFFFFFE0]  }
0x66: {  	[tilespmem:s18+$0xFFFFFF80] =	vst v0;
	v0 =	vmul.f32 $8.000000000e+00, v6;
	v6 =	vld [tilespmem:s18+$0x0]  }
0x67: {  	[tilespmem:s18+$0xFFFFFF90] =	vst v1;
	v1 =	vmul.f32 $8.000000000e+00, v5;
	v5 =	vld [tilespmem:s18+$0x10]  }
0x68: {  	[tilespmem:s18+$0xFFFFFFA0] =	vst v0;
	v0 =	vmul.f32 $8.000000000e+00, v4;
	v4 =	vld [tilespmem:s18+$0x20]  }
0x69: {  	[tilespmem:s18+$0xFFFFFFB0] =	vst v1;
	v1 =	vmul.f32 $8.000000000e+00, v2;
	v2 =	vld [tilespmem:s18+$0x30]  }
0x6a: {  	[tilespmem:s18+$0xFFFFFFC0] =	vst v0;
	v0 =	vmul.f32 $8.000000000e+00, v3;
	v3 =	vld [tilespmem:s18+$0x40]  }
0x6b: {  	[tilespmem:s18+$0xFFFFFFD0] =	vst v1;
	v1 =	vmul.f32 $8.000000000e+00, v6;
	v6 =	vld [tilespmem:s18+$0x50]  }
0x6c: {  	[tilespmem:s18+$0xFFFFFFE0] =	vst v0;
	v0 =	vmul.f32 $8.000000000e+00, v5;
	v5 =	vld [tilespmem:s18+$0x60]  }
0x6d: {  	[tilespmem:s18+$0x0] =	vst v1;
	v1 =	vmul.f32 $8.000000000e+00, v4;
	v4 =	vld [tilespmem:s18+$0x70]  }
0x6e: {  	[tilespmem:s18+$0x10] =	vst v0;
	v0 =	vmul.f32 $8.000000000e+00, v2;
	v2 =	vld [tilespmem:s18+$0x80]  }
0x6f: {  	[tilespmem:s18+$0x20] =	vst v1;
	v1 =	vmul.f32 $8.000000000e+00, v3;
	v3 =	vld [tilespmem:s18+$0x90]  }
0x70: {  	s17 =	sadd.s32 $0x8, s17;
	[tilespmem:s18+$0x30] =	vst v0;
	v0 =	vmul.f32 $8.000000000e+00, v6;
	v6 =	vld [tilespmem:s18+$0xA0]  }
0x71: {  	p0 =	slt.u32 s17, $0x1F8;
	[tilespmem:s18+$0x40] =	vst v1;
	v1 =	vmul.f32 $8.000000000e+00, v5;
	v7 =	vld [tilespmem:s18+$0xB0]  }
.Ltmp0:
0x72: {  	[tilespmem:s18+$0x50] =	vst v0;
	v4 =	vmul.f32 $8.000000000e+00, v4;
	v0 =	vld [tilespmem:s18+$0xC0];
	(pc) =	sbr.rel @p0 .LBB2_3-.Ltmp0, $4  }
0x73: {  	[tilespmem:s18+$0x60] =	vst v1;
	v5 =	vmul.f32 $8.000000000e+00, v2;
	v1 =	vld [tilespmem:s18+$0xD0]  }
0x74: {  	[tilespmem:s18+$0x70] =	vst v4;
	v8 =	vmul.f32 $8.000000000e+00, v3;
	v2 =	vld [tilespmem:s18+$0xE0]  }
0x75: {  	[tilespmem:s18+$0x80] =	vst v5;
	v5 =	vmul.f32 $8.000000000e+00, v6;
	v3 =	vld [tilespmem:s18+$0xF0]  }
0x76: {  	s18 =	sadd.s32 $0x200, s18;
	v4 =	vld [tilespmem:s16+$0xFFFFFFF0];
	[tilespmem:s16+$0x90] =	vst v8;
	v6 =	vmul.f32 $8.000000000e+00, v7  }
0x77: {  	[tilespmem:s16+$0xA0] =	vst v5;
	v0 =	vmul.f32 $8.000000000e+00, v0  }
0x78: {  	[tilespmem:s16+$0xB0] =	vst v6;
	v1 =	vmul.f32 $8.000000000e+00, v1  }
0x79: {  	[tilespmem:s16+$0xC0] =	vst v0;
	v0 =	vmul.f32 $8.000000000e+00, v2  }
0x7a: {  	s17 =	sshll.u32 s1, $0x10;
	[tilespmem:s16+$0xD0] =	vst v1;
	v1 =	vmul.f32 $8.000000000e+00, v3  }
0x7b: {  	s17 =	sadd.s32 s8, s17;
	v2 =	vmul.f32 $8.000000000e+00, v4;
	[tilespmem:s16+$0xE0] =	vst v0  }
0x7c: {  	p0 =	seq.s32 s1, $0x18;
	s17 =	sshrl.u32 s17, $0x3;
	[tilespmem:s16+$0xF0] =	vst v1  }
0x7d: {  	s15 =	sadd.s32 @!p0 s15, s9;
	s18 =	sadd.s32 s2, s17;
	[tilespmem:s16+$0xFFFFFFF0] =	vst v2  }
0x7e: {  	[hbm4b:s18+s3] =	stream.linear.scatter [tilespmem:s13], [sflag:$0x3], $0x8000, $0x38;
	[tilespmem:$0x10400] =	vst v63  }
0x7f: {  	s15 =	sshll.u32 @!p0 s15, $0x6;
	_ =	swait.ge [sflag:s29], $0x8000  }
0x80: {  	s15 =	sand.u32 @!p0 $0x1FFFFF80, s15;
	[sflag:s29] =	ssyncset.done $0x0  }
0x81: {  	s15 =	sadd.s32 @!p0 s4, s15;
	s16 =	simm.s32 @!p0 $0x0;
	[sflag:s29] =	ssyncadd.s32 $0xFFFF8000  }
0x82: {  	[tilespmem:s16], [sflag:$0x5] =	stream.linear.gather @!p0 [hbm4b:s15+s16], $0x200, $0x38;
	[tilespmem:$0x10400] =	vst v63  }
0x83: {  	s15 =	simm.s32 @!p0 $0x5  }
0x84: {  	_ =	swait.ge @!p0 [sflag:s15], $0x200  }
0x85: {  	[sflag:s15] =	ssyncset.done @!p0 $0x0  }
0x86: {  	s17 =	simm.s32 @!p0 $0x400;
	[sflag:s15] =	ssyncadd.s32 @!p0 $0xFFFFFE00;
	s15 =	simm.s32 @!p0 $0x80  }
0x87: {  	[tilespmem:s17], [sflag:$0x1] =	stream.indirect.gather @!p0 [hbm4b:s6+s15], $0x40, s16, s15, $0xb8;
	[tilespmem:$0x10400] =	vst v63  }
0x88: {  	s16 =	simm.s32 @!p0 $0x2400  }
0x89: {  	[tilespmem:s16], [sflag:$0x1] =	stream.indirect.gather @!p0 [hbm4b:s6+s15], $0x40, s15, s15, $0xb8;
	[tilespmem:$0x10400] =	vst v63  }
0x8a: {  	s17 =	simm.s32 @!p0 $0x4400;
	s16 =	simm.s32 @!p0 $0x100  }
0x8b: {  	[tilespmem:s17], [sflag:$0x1] =	stream.indirect.gather @!p0 [hbm4b:s6+s15], $0x40, s16, s15, $0xb8;
	[tilespmem:$0x10400] =	vst v63  }
0x8c: {  	s16 =	simm.s32 @!p0 $0x180;
	s17 =	simm.s32 @!p0 $0x6400  }
0x8d: {  	[tilespmem:s17], [sflag:$0x1] =	stream.indirect.gather @!p0 [hbm4b:s6+s15], $0x40, s16, s15, $0xb8;
	[tilespmem:$0x10400] =	vst v63  }
0x8e: {  	_ =	swait.ge [sflag:s30], $0x2000  }
0x8f: {  	[sflag:s30] =	ssyncset.done $0x0  }
0x90: {  	[sflag:s30] =	ssyncadd.s32 $0xFFFFE000  }
0x91: {  	_ =	swait.ge [sflag:s30], $0x2000  }
0x92: {  	[sflag:s30] =	ssyncset.done $0x0  }
0x93: {  	[sflag:s30] =	ssyncadd.s32 $0xFFFFE000  }
0x94: {  	_ =	swait.ge [sflag:s30], $0x2000  }
0x95: {  	[sflag:s30] =	ssyncset.done $0x0  }
0x96: {  	[sflag:s30] =	ssyncadd.s32 $0xFFFFE000  }
0x97: {  	_ =	swait.ge [sflag:s30], $0x2000  }
0x98: {  	[sflag:s30] =	ssyncset.done $0x0  }
0x99: {  	s15 =	simm.s32 $0x8500;
	[sflag:s30] =	ssyncadd.s32 $0xFFFFE000  }
0x9a: {  	v0 =	vld [tilespmem:s15+$0xFFFFFF00]  }
0x9b: {  	v1 =	vld [tilespmem:s15+$0xFFFFFF10]  }
0x9c: {  	v2 =	vld [tilespmem:s15+$0xFFFFFF20]  }
0x9d: {  	v3 =	vld [tilespmem:s15+$0xFFFFFF30]  }
0x9e: {  	v4 =	vld [tilespmem:s15+$0xFFFFFF40]  }
0x9f: {  	v5 =	vld [tilespmem:s15+$0xFFFFFF50];
	v0 =	vmul.f32 $8.000000000e+00, v0  }
0xa0: {  	v6 =	vld [tilespmem:s15+$0xFFFFFF60];
	v1 =	vmul.f32 $8.000000000e+00, v1  }
0xa1: {  	[tilespmem:s15+$0xFFFFFF00] =	vst v0;
	v0 =	vmul.f32 $8.000000000e+00, v2;
	v2 =	vld [tilespmem:s15+$0xFFFFFF70]  }
0xa2: {  	[tilespmem:s15+$0xFFFFFF10] =	vst v1;
	v1 =	vmul.f32 $8.000000000e+00, v3;
	v3 =	vld [tilespmem:s15+$0xFFFFFF80]  }
0xa3: {  	[tilespmem:s15+$0xFFFFFF20] =	vst v0;
	v0 =	vmul.f32 $8.000000000e+00, v4;
	v4 =	vld [tilespmem:s15+$0xFFFFFF90]  }
0xa4: {  	[tilespmem:s15+$0xFFFFFF30] =	vst v1;
	v1 =	vmul.f32 $8.000000000e+00, v5;
	v5 =	vld [tilespmem:s15+$0xFFFFFFA0]  }
0xa5: {  	[tilespmem:s15+$0xFFFFFF40] =	vst v0;
	v0 =	vmul.f32 $8.000000000e+00, v6;
	v6 =	vld [tilespmem:s15+$0xFFFFFFB0]  }
0xa6: {  	[tilespmem:s15+$0xFFFFFF50] =	vst v1;
	v1 =	vmul.f32 $8.000000000e+00, v2;
	v2 =	vld [tilespmem:s15+$0xFFFFFFC0]  }
0xa7: {  	[tilespmem:s15+$0xFFFFFF60] =	vst v0;
	v0 =	vmul.f32 $8.000000000e+00, v3;
	v3 =	vld [tilespmem:s15+$0xFFFFFFD0]  }
0xa8: {  	[tilespmem:s15+$0xFFFFFF70] =	vst v1;
	v1 =	vmul.f32 $8.000000000e+00, v4;
	v4 =	vld [tilespmem:s15+$0xFFFFFFE0]  }
0xa9: {  	[tilespmem:s15+$0xFFFFFF80] =	vst v0;
	v0 =	vmul.f32 $8.000000000e+00, v5;
	v5 =	vld [tilespmem:s15+$0x0]  }
0xaa: {  	[tilespmem:s15+$0xFFFFFF90] =	vst v1;
	v1 =	vmul.f32 $8.000000000e+00, v6;
	v6 =	vld [tilespmem:s15+$0x10]  }
0xab: {  	[tilespmem:s15+$0xFFFFFFA0] =	vst v0;
	v0 =	vmul.f32 $8.000000000e+00, v2;
	v2 =	vld [tilespmem:s15+$0x20]  }
0xac: {  	[tilespmem:s15+$0xFFFFFFB0] =	vst v1;
	v1 =	vmul.f32 $8.000000000e+00, v3;
	v3 =	vld [tilespmem:s15+$0x30]  }
0xad: {  	[tilespmem:s15+$0xFFFFFFC0] =	vst v0;
	v0 =	vmul.f32 $8.000000000e+00, v4;
	v4 =	vld [tilespmem:s15+$0x40]  }
0xae: {  	[tilespmem:s15+$0xFFFFFFD0] =	vst v1;
	v1 =	vmul.f32 $8.000000000e+00, v5;
	v5 =	vld [tilespmem:s15+$0x50]  }
0xaf: {  	[tilespmem:s15+$0xFFFFFFE0] =	vst v0;
	v0 =	vmul.f32 $8.000000000e+00, v6;
	v6 =	vld [tilespmem:s15+$0x60]  }
0xb0: {  	[tilespmem:s15+$0x0] =	vst v1;
	v1 =	vmul.f32 $8.000000000e+00, v2;
	v2 =	vld [tilespmem:s15+$0x70]  }
0xb1: {  	[tilespmem:s15+$0x10] =	vst v0;
	v0 =	vmul.f32 $8.000000000e+00, v3;
	v3 =	vld [tilespmem:s15+$0x80]  }
0xb2: {  	[tilespmem:s15+$0x20] =	vst v1;
	v1 =	vmul.f32 $8.000000000e+00, v4;
	v4 =	vld [tilespmem:s15+$0x90]  }
0xb3: {  	[tilespmem:s15+$0x30] =	vst v0;
	v0 =	vmul.f32 $8.000000000e+00, v5;
	v5 =	vld [tilespmem:s15+$0xA0]  }
0xb4: {  	[tilespmem:s15+$0x40] =	vst v1;
	v1 =	vmul.f32 $8.000000000e+00, v6;
	v6 =	vld [tilespmem:s15+$0xB0]  }
0xb5: {  	[tilespmem:s15+$0x50] =	vst v0;
	v2 =	vmul.f32 $8.000000000e+00, v2;
	v0 =	vld [tilespmem:s15+$0xC0]  }
0xb6: {  	[tilespmem:s15+$0x60] =	vst v1;
	v3 =	vmul.f32 $8.000000000e+00, v3;
	v1 =	vld [tilespmem:s15+$0xD0]  }
0xb7: {  	[tilespmem:s15+$0x70] =	vst v2;
	v7 =	vmul.f32 $8.000000000e+00, v4;
	v2 =	vld [tilespmem:s15+$0xE0]  }
0xb8: {  	[tilespmem:s15+$0x80] =	vst v3;
	v3 =	vld [tilespmem:s15+$0xF0];
	v5 =	vmul.f32 $8.000000000e+00, v5  }
0xb9: {  	s16 =	simm.s32 $0x0;
	s17 =	simm.s32 $0x8700;
	v4 =	vld [tilespmem:s15+$0xFFFFFFF0];
	[tilespmem:s15+$0x90] =	vst v7;
	v6 =	vmul.f32 $8.000000000e+00, v6  }
.LBB2_5:
0xba: {  	v7 =	vld [tilespmem:s17+$0xFFFFFF00];
	[tilespmem:s15+$0xA0] =	vst v5;
	v0 =	vmul.f32 $8.000000000e+00, v0  }
0xbb: {  	v5 =	vld [tilespmem:s17+$0xFFFFFF10];
	[tilespmem:s15+$0xB0] =	vst v6;
	v1 =	vmul.f32 $8.000000000e+00, v1  }
0xbc: {  	v6 =	vld [tilespmem:s17+$0xFFFFFF20];
	[tilespmem:s15+$0xC0] =	vst v0;
	v0 =	vmul.f32 $8.000000000e+00, v2  }
0xbd: {  	v2 =	vld [tilespmem:s17+$0xFFFFFF30];
	[tilespmem:s15+$0xD0] =	vst v1;
	v1 =	vmul.f32 $8.000000000e+00, v3  }
0xbe: {  	v3 =	vld [tilespmem:s17+$0xFFFFFF40];
	v4 =	vmul.f32 $8.000000000e+00, v4;
	[tilespmem:s15+$0xE0] =	vst v0  }
0xbf: {  	v0 =	vmul.f32 $8.000000000e+00, v7;
	v7 =	vld [tilespmem:s17+$0xFFFFFF50];
	[tilespmem:s15+$0xF0] =	vst v1  }
0xc0: {  	v1 =	vmul.f32 $8.000000000e+00, v5;
	v5 =	vld [tilespmem:s17+$0xFFFFFF60];
	[tilespmem:s15+$0xFFFFFFF0] =	vst v4;
	s15 =	smov.u32 s17  }
0xc1: {  	[tilespmem:s17+$0xFFFFFF00] =	vst v0;
	v0 =	vmul.f32 $8.000000000e+00, v6;
	v4 =	vld [tilespmem:s17+$0xFFFFFF70]  }
0xc2: {  	[tilespmem:s17+$0xFFFFFF10] =	vst v1;
	v1 =	vmul.f32 $8.000000000e+00, v2;
	v2 =	vld [tilespmem:s17+$0xFFFFFF80]  }
0xc3: {  	[tilespmem:s17+$0xFFFFFF20] =	vst v0;
	v0 =	vmul.f32 $8.000000000e+00, v3;
	v3 =	vld [tilespmem:s17+$0xFFFFFF90]  }
0xc4: {  	[tilespmem:s17+$0xFFFFFF30] =	vst v1;
	v1 =	vmul.f32 $8.000000000e+00, v7;
	v6 =	vld [tilespmem:s17+$0xFFFFFFA0]  }
0xc5: {  	[tilespmem:s17+$0xFFFFFF40] =	vst v0;
	v0 =	vmul.f32 $8.000000000e+00, v5;
	v5 =	vld [tilespmem:s17+$0xFFFFFFB0]  }
0xc6: {  	[tilespmem:s17+$0xFFFFFF50] =	vst v1;
	v1 =	vmul.f32 $8.000000000e+00, v4;
	v4 =	vld [tilespmem:s17+$0xFFFFFFC0]  }
0xc7: {  	[tilespmem:s17+$0xFFFFFF60] =	vst v0;
	v0 =	vmul.f32 $8.000000000e+00, v2;
	v2 =	vld [tilespmem:s17+$0xFFFFFFD0]  }
0xc8: {  	[tilespmem:s17+$0xFFFFFF70] =	vst v1;
	v1 =	vmul.f32 $8.000000000e+00, v3;
	v3 =	vld [tilespmem:s17+$0xFFFFFFE0]  }
0xc9: {  	[tilespmem:s17+$0xFFFFFF80] =	vst v0;
	v0 =	vmul.f32 $8.000000000e+00, v6;
	v6 =	vld [tilespmem:s17+$0x0]  }
0xca: {  	[tilespmem:s17+$0xFFFFFF90] =	vst v1;
	v1 =	vmul.f32 $8.000000000e+00, v5;
	v5 =	vld [tilespmem:s17+$0x10]  }
0xcb: {  	[tilespmem:s17+$0xFFFFFFA0] =	vst v0;
	v0 =	vmul.f32 $8.000000000e+00, v4;
	v4 =	vld [tilespmem:s17+$0x20]  }
0xcc: {  	[tilespmem:s17+$0xFFFFFFB0] =	vst v1;
	v1 =	vmul.f32 $8.000000000e+00, v2;
	v2 =	vld [tilespmem:s17+$0x30]  }
0xcd: {  	[tilespmem:s17+$0xFFFFFFC0] =	vst v0;
	v0 =	vmul.f32 $8.000000000e+00, v3;
	v3 =	vld [tilespmem:s17+$0x40]  }
0xce: {  	[tilespmem:s17+$0xFFFFFFD0] =	vst v1;
	v1 =	vmul.f32 $8.000000000e+00, v6;
	v6 =	vld [tilespmem:s17+$0x50]  }
0xcf: {  	[tilespmem:s17+$0xFFFFFFE0] =	vst v0;
	v0 =	vmul.f32 $8.000000000e+00, v5;
	v5 =	vld [tilespmem:s17+$0x60]  }
0xd0: {  	[tilespmem:s17+$0x0] =	vst v1;
	v1 =	vmul.f32 $8.000000000e+00, v4;
	v4 =	vld [tilespmem:s17+$0x70]  }
0xd1: {  	[tilespmem:s17+$0x10] =	vst v0;
	v0 =	vmul.f32 $8.000000000e+00, v2;
	v2 =	vld [tilespmem:s17+$0x80]  }
0xd2: {  	[tilespmem:s17+$0x20] =	vst v1;
	v1 =	vmul.f32 $8.000000000e+00, v3;
	v3 =	vld [tilespmem:s17+$0x90]  }
0xd3: {  	s16 =	sadd.s32 $0x8, s16;
	[tilespmem:s17+$0x30] =	vst v0;
	v0 =	vmul.f32 $8.000000000e+00, v6;
	v6 =	vld [tilespmem:s17+$0xA0]  }
0xd4: {  	p0 =	slt.u32 s16, $0x1F8;
	[tilespmem:s17+$0x40] =	vst v1;
	v1 =	vmul.f32 $8.000000000e+00, v5;
	v7 =	vld [tilespmem:s17+$0xB0]  }
.Ltmp1:
0xd5: {  	[tilespmem:s17+$0x50] =	vst v0;
	v4 =	vmul.f32 $8.000000000e+00, v4;
	v0 =	vld [tilespmem:s17+$0xC0];
	(pc) =	sbr.rel @p0 .LBB2_5-.Ltmp1, $4  }
0xd6: {  	[tilespmem:s17+$0x60] =	vst v1;
	v5 =	vmul.f32 $8.000000000e+00, v2;
	v1 =	vld [tilespmem:s17+$0xD0]  }
0xd7: {  	[tilespmem:s17+$0x70] =	vst v4;
	v8 =	vmul.f32 $8.000000000e+00, v3;
	v2 =	vld [tilespmem:s17+$0xE0]  }
0xd8: {  	[tilespmem:s17+$0x80] =	vst v5;
	v5 =	vmul.f32 $8.000000000e+00, v6;
	v3 =	vld [tilespmem:s17+$0xF0]  }
0xd9: {  	s17 =	sadd.s32 $0x200, s17;
	v4 =	vld [tilespmem:s15+$0xFFFFFFF0];
	[tilespmem:s15+$0x90] =	vst v8;
	v6 =	vmul.f32 $8.000000000e+00, v7  }
0xda: {  	[tilespmem:s15+$0xA0] =	vst v5;
	v0 =	vmul.f32 $8.000000000e+00, v0  }
0xdb: {  	s1 =	sadd.s32 $0x1, s1;
	[tilespmem:s15+$0xB0] =	vst v6;
	v1 =	vmul.f32 $8.000000000e+00, v1  }
0xdc: {  	p0 =	sne.s32 s1, $0x19;
	[tilespmem:s15+$0xC0] =	vst v0;
	v61 =	vmul.f32 $8.000000000e+00, v2  }
.Ltmp2:
0xdd: {  	s14 =	sshll.u32 s14, $0xF;
	[tilespmem:s15+$0xD0] =	vst v1;
	v62 =	vmul.f32 $8.000000000e+00, v3;
	(pc) =	sbr.rel @p0 .LBB2_2-.Ltmp2, $4  }
0xde: {  	s14 =	sadd.s32 s8, s14;
	v63 =	vmul.f32 $8.000000000e+00, v4;
	[tilespmem:s15+$0xE0] =	vst v61  }
0xdf: {  	s14 =	sshrl.u32 s14, $0x3;
	[tilespmem:s15+$0xF0] =	vst v62  }
0xe0: {  	s14 =	sadd.s32 s2, s14;
	[tilespmem:s15+$0xFFFFFFF0] =	vst v63  }
0xe1: {  	[hbm4b:s14+s3] =	stream.linear.scatter [tilespmem:s20], [sflag:$0x4], $0x8000, $0x38;
	[tilespmem:$0x10400] =	vst v63  }
0xe2: {  	s0 =	sadd.s32 $0x1, s0  }
0xe3: {  	p0 =	sne.s32 s0, s10  }
.Ltmp3:
0xe4: {  	_ = 	snop;
	(pc) =	sbr.rel @p0 .LBB2_1-.Ltmp3, $4  }
0xe5: {  	_ = 	snop  }
0xe6: {  	_ =	swait.ge [sflag:s31], $0x8000  }
0xe7: {  	[sflag:s31] =	ssyncset.done $0x0  }
0xe8: {  	[sflag:s31] =	ssyncadd.s32 $0xFFFF8000  }
0xe9: {  	_ =	sfence.sel $0x180000  }
0xea: {  	[bflag:$0x0] =	sbarrier.arrive $0xFFFF  }
0xeb: {  	_ =	strace $0x90000047  }
0xec: {  	s0 =	stileid.u32;
	[bflag:$0x2] =	sbarrier.arrive $0xFFFF  }
0xed: {  	p0 =	sne.s32 s0, $0x0;
	s0 =	rddreg [dreg:$0x2]  }
0xee: {  	s0 =	sadd.s32 @!p0 $0x100000, s0  }
0xef: {  	[sflag:s0] =	ssyncadd.tile.s32 @!p0 $0x1;
	_ =	shalt  }
.Lfunc_end2:
_tile_overlayer_lowered:
.L_overlay_start_2:
0xf0: {  	(tag) =	ssettag $0x2  }
0xf1: {  	s0 =	rddreg [dreg:$0x0];
	s2 =	stileid.u32  }
0xf2: {  	s1 =	rddreg [dreg:$0x1];
	p0 =	sne.s32 s2, $0x0  }
0xf3: {  	s3 =	rddreg [dreg:$0x2];
	[bflag:$0x3] =	sbarrier.arrive $0xFFFF;
	s2 =	simm.s32 @!p0 $0x1C05  }
0xf4: {  	[timem:s3], [sflag:s2] =	dma.local @!p0 [hbm:s0], s1  }
0xf5: {  	s0 =	simm.s32 @!p0 $0x5  }
0xf6: {  	_ =	swait.ge @!p0 [sflag:s0], s1  }
0xf7: {  	s1 =	ssub.s32 @!p0 $0x0, s1;
	[sflag:s0] =	ssyncset.done @!p0 $0x0  }
0xf8: {  	[sflag:s0] =	ssyncadd.s32 @!p0 s1  }
0xf9: {  	[bflag:$0x3] =	sbarrier.arrive $0xFFFF  }
0xfa: {  	_ =	shalt  }

// kernel: sparse-core-data-format-call.cloned.1.call-start
scs
called_computation_lowered:
.L_overlay_start_0:
0x0: {  	s2 =	sld [smem:$0x3FD9]  }
0x1: {  	s3 =	sld [smem:$0x3FFE];
	_ =	sdelay $0x1  }
0x2: {  	s1 =	srdreg.scid  }
0x3: {  	s0 =	sand.u32 $0x1, s1  }
0x4: {  	s18 =	sshll.u32 s0, $0xA;
	s2 =	sadd.s32 s3, s2  }
0x5: {  	s2 =	sadd.s32 s2, s18  }
0x6: {  	[smem:$0x3FC6] =	sst s2  }
0x7: {  	_ = 	snop  }
0x8: {  	s2 =	sld [smem:$0x3FD0];
	(tm) =	ssettm $0x1  }
0x9: {  	s19 =	sld [smem:$0x3FFB];
	_ =	sdelay $0x3  }
0xa: {  	_ =	strace s19  }
0xb: {  	s3 =	sld [smem:$0x3FFC];
	_ =	sdelay $0x3  }
0xc: {  	_ =	strace s3  }
0xd: {  	s3 =	sld [smem:$0x3FFD];
	_ =	sdelay $0x3  }
0xe: {  	_ =	strace s3  }
0xf: {  	_ =	strace $0x8FFFFFFF  }
0x10: {  	s20 =	sld [smem:$0x3FDB];
	_ =	sdelay $0x1  }
0x11: {  	s4 =	simm.s32 $_scs_section_size  }
0x12: {  	s5 =	simm.s32 $_size__tile_overlayer_lowered;
	s6 =	simm.s32 $_tile_overlayer_lowered  }
0x13: {  	s23 =	simm.s32 $0x1BFF;
	s22 =	sshll.u32 s6, $0x1;
	s3 =	sadd.s32 s4, s20  }
0x14: {  	s7 =	simm.s32 $0x0;
	s21 =	sshll.u32 s5, $0x1;
	s5 =	sadd.s32 s22, s3  }
0x15: {  	[timem:s7], [sflag:s23] =	dma.local [hbm:s5], s21  }
0x16: {  	_ =	swait.ge [sflag:s23], s21  }
0x17: {  	s4 =	ssub.s32 $0x0, s21;
	[sflag:s23] =	ssyncset.done $0x0  }
0x18: {  	[sflag:s23] =	ssyncadd.s32 s4;
	_ =	sdelay $0x1  }
0x19: {  	s24 =	simm.s32 $0x1B8B  }
0x1a: {  	_ =	swait.ge [sflag:s24], $0x1  }
0x1b: {  	[sflag:s24] =	ssyncset.done $0x0  }
0x1c: {  	s26 =	simm.s32 $0x1B8E;
	s25 =	sld [smem:$0x3FFE];
	[sflag:s24] =	ssyncadd.s32 $0xFFFFFFFF  }
0x1d: {  	s27 =	simm.s32 $execute0_lowered;
	[smem:$0x3FD2] =	sst s26  }
0x1e: {  	s5 =	sshll.u32 s27, $0x1;
	_ =	strace $0x80000049;
	[dreg:$0x1] =	wrdreg $0xFFFFFFFF  }
0x1f: {  	s28 =	simm.s32 $_size_execute0_lowered;
	s3 =	sadd.s32 s3, s5;
	[dreg:$0x0] =	wrdreg $0x0  }
0x20: {  	s5 =	sshll.u32 s28, $0x1;
	[dreg:$0x2] =	wrdreg s3  }
0x21: {  	[dreg:$0x3] =	wrdreg s5  }
0x22: {  	[dreg:$0x4] =	wrdreg $0xC0  }
0x23: {  	_ =	task [dreg:s7], $0x5FFFF  }
0x24: {  	[dreg:$0x1] =	wrdreg $0xFFFFFFFF  }
0x25: {  	[dreg:$0x0] =	wrdreg $0x60  }
0x26: {  	[dreg:$0x2] =	wrdreg s25  }
0x27: {  	[dreg:$0x3] =	wrdreg s2  }
0x28: {  	[dreg:$0x4] =	wrdreg $0x9  }
0x29: {  	_ =	task.clear_ibuf [dreg:s7], $0x5FFFF;
	_ =	strace $0x90000049  }
0x2a: {  	s29 =	simm.s32 $0x9;
	_ =	strace $0x8000004B  }
0x2b: {  	_ =	swait.ge [sflag:s29], $0x1  }
0x2c: {  	[sflag:s29] =	ssyncadd.s32 $0xFFFFFFFF  }
0x2d: {  	_ =	strace $0x9000004B  }
0x2e: {  	_ =	sfence  }
0x2f: {  	s30 =	sld [smem:$0x0];
	_ =	sdelay $0x2  }
0x30: {  	s31 =	sshll.u32 s1, $0xD;
	s1 =	sshrl.u32 s1, $0x2  }
0x31: {  	s3 =	sand.u32 $0x4000, s31;
	s1 =	sadd.s32 s1, s30  }
0x32: {  	s0 =	sor.u32 s3, s0;
	s1 =	sshll.u32 s1, $0x11  }
0x33: {  	s0 =	sor.u32 s1, s0  }
0x34: {  	s0 =	sadd.s32 $0x8F2B, s0  }
0x35: {  	[sflag:s0] =	ssyncadd.remote.s32 $0x1  }
0x36: {  	_ =	sfence.sel $0xFFFF  }
0x37: {  	[dreg:$0x0] =	wrdreg $0xFFFFFFFF;
	(pc) =	sbr.abs _section_cstart, $3  }
0x38: {  	[dreg:$0x1] =	wrdreg $0xFFFFFFFF  }
0x39: {  	_ =	task.clear_ibuf [dreg:s7], $0x2FFFF;
	_ =	strace $0x9FFFFFFF  }
0x3a: {  	(tm) =	ssettm $0x7FFFFFFF  }
0x3b: {  	_ =	shalt  }
tec
execute0_lowered:
.L_overlay_start_1:
0x0: {  	(tag) =	ssettag $0x1  }
0x1: {  	s0 =	srdreg.scid  }
0x2: {  	s1 =	sshll.u32 s0, $0x4  }
0x3: {  	s0 =	stileid.u32;
	s1 =	sand.u32 $0x10, s1  }
0x4: {  	s1 =	sor.u32 s0, s1  }
0x5: {  	s6 =	rddreg [dreg:$0x0];
	s4 =	simm.s32 $0x1;
	s2 =	sshll.u32 s1, $0x7  }
0x6: {  	s7 =	simm.s32 $0x2;
	s12 =	simm.s32 $0x0;
	s1 =	ssub.s32 $0x1000, s2  }
0x7: {  	s8 =	simm.s32 $0x8000;
	s13 =	simm.s32 $0x0;
	s3 =	sand.u32 $0xF80, s1  }
0x8: {  	s9 =	simm.s32 $0x0;
	s5 =	sshrl.u32 s1, $0xC;
	p0 =	sne.s32 s3, $0x0  }
.Ltmp0:
0x9: {  	s1 =	rddreg [dreg:$0x2];
	s4 =	simm.s32 @!p0 $0x0;
	(pc) =	sbr.rel .LBB1_1-.Ltmp0, $4  }
0xa: {  	s11 =	simm.s32 $0x0;
	s3 =	rddreg [dreg:$0x1];
	s5 =	sadd.s32 s4, s5  }
0xb: {  	_ =	strace $0x8000004A;
	s4 =	simm.s32 $0x1;
	s5 =	smul.u32 $0xC8, s5  }
0xc: {  	s6 =	sadd.s32 $0xA00, s6;
	s10 =	smov.u32 s2;
	[sflag:s4] =	ssyncpa.u1 $0x0  }
0xd: {  	p0 =	por $0x0, $0x0;
	[sflag:s7] =	ssyncpa.u1 $0x0;
	s7 =	sor.u32 $0x1, s5  }
.LBB1_4:
0xe: {  	s16 =	sshll.u32 s13, $0x3;
	s17 =	sand.u32 $0x78, s13  }
0xf: {  	s30 =	sand.u32 $0x7E00, s13;
	s12 =	sshll.u32 s12, $0xF;
	s16 =	sand.u32 $0xC00, s16  }
0x10: {  	[tilespmem:s15+$0x810 ss:$0x81] =	vst.msk $0xffff, v2;
	s31 =	sand.u32 $0x7, s13;
	s16 =	sor.u32 s17, s16;
	s17 =	sadd.s32 s3, s30  }
0x11: {  	[tilespmem:s15+$0x1020 ss:$0x81] =	vst.msk $0xffff, v0;
	s13 =	sshll.u32 s31, $0x12;
	s12 =	sadd.s32 s12, s17;
	s16 =	sshrl.u32 s16, $0x3  }
0x12: {  	[tilespmem:s15+$0x0 ss:$0x81] =	vst.msk $0xffff, v1;
	s13 =	sor.u32 $0x400, s13;
	s12 =	sadd.s32 s16, s12  }
0x13: {  	[hbm4b:s12+s13] =	stream.strided.scatter [tilespmem:s14], [sflag:$0x2], $0x2000, s8, s13, $0x20;
	[tilespmem:$0x8080] =	vst v63  }
.LBB1_5:
0x14: {  	s14 =	sadd.s32 $0x1, s9  }
0x15: {  	s12 =	sadd.s32 $0x1000, s10;
	s16 =	smov.u32 s10;
	p2 =	sgt.s32 s14, $0xC7  }
0x16: {  	s16 =	smov.u32 @p2 s12  }
0x17: {  	s14 =	simm.s32 @p2 $0x0;
	p2 =	sgt.s32 s16, $0xFFF  }
0x18: {  	s16 =	smov.u32 @p2 s2;
	p2 =	sne.s32 s11, s7  }
.Ltmp1:
0x19: {  	p1 =	slt.u32 s11, $0x2;
	(pc) =	sbr.rel @!p2 .LBB1_6-.Ltmp1, $4  }
0x1a: {  	s15 =	simm.s32 @!p1 $0x2  }
0x1b: {  	s13 =	smov.u32 s10;
	p0 =	por !p0, !p0;
	_ =	swait.ge @!p1 [sflag:s15], $0x2000  }
0x1c: {  	s12 =	smov.u32 s9;
	[sflag:s15] =	ssyncset.done @!p1 $0x0;
	s9 =	smov.u32 s14  }
0x1d: {  	s11 =	sadd.s32 $0x1, s11;
	[sflag:s15] =	ssyncadd.s32 @!p1 $0xFFFFE000;
	s10 =	smov.u32 s16  }
.LBB1_1:
0x1e: {  	p1 =	sge.u32 s11, s5  }
0x1f: {  	s14 =	sand.u32 @!p1 $0x1FFFFFF, s9  }
0x20: {  	s15 =	smulhi.u32 @!p1 $0x147AE15, s14;
	_ =	sdelay $0x1  }
0x21: {  	s15 =	smul.u32 @!p1 $0xC8, s15  }
0x22: {  	s16 =	sxor.u32 @!p1 $0xFFFFFFFF, s11;
	s17 =	smul.u32 @!p1 $0xC80, s10  }
0x23: {  	s31 =	sadd.s32 $0xFFFFFFFF, s11;
	s16 =	sshll.u32 @!p1 s16, $0xD;
	s14 =	ssub.s32 @!p1 s14, s15  }
0x24: {  	s15 =	sand.u32 @!p1 $0x2000, s16;
	s16 =	sadd.s32 @!p1 s6, s17;
	s14 =	sshll.u32 @!p1 s14, $0x4  }
0x25: {  	s17 =	simm.s32 @!p1 $0x6400;
	s14 =	sadd.s32 @!p1 s14, s16;
	s16 =	simm.s32 @!p1 $0x40  }
0x26: {  	[tilespmem:s15], [sflag:$0x1] =	stream.strided.gather @!p1 [hbm4b:s14+s16], $0x2000, s17, s16, $0x38;
	[tilespmem:$0x8080] =	vst v63  }
0x27: {  	p1 =	sge.u32 s31, s5  }
.Ltmp2:
0x28: {  	_ = 	snop;
	(pc) =	sbr.rel @p1 .LBB1_5-.Ltmp2, $1  }
0x29: {  	_ =	sdelay $0x3  }
0x2a: {  	s14 =	simm.s32 $0x1  }
0x2b: {  	_ =	swait.ge [sflag:s4], $0x2000;
	s14 =	simm.s32 @!p0 $0x0  }
0x2c: {  	[sflag:s4] =	ssyncset.done $0x0;
	s15 =	sshll.u32 s14, $0xD  }
0x2d: {  	[sflag:s4] =	ssyncadd.s32 $0xFFFFE000;
	s18 =	sor.u32 $0x20, s15  }
0x2e: {  	s14 =	smul.u32 $0x8100, s14;
	v3 =	vld [tilespmem:s18+$0x10]  }
0x2f: {  	s30 =	sand.u32 $0x1, s11;
	v2 =	vld [tilespmem:s18+$0xFFFFFFF0]  }
0x30: {  	s15 =	smul.u32 $0x8100, s30;
	s14 =	sshrl.u32 s14, $0x2;
	v0 =	vld [tilespmem:s18+$0x0]  }
0x31: {  	v1 =	vld [tilespmem:s18+$0xFFFFFFE0];
	s16 =	sor.u32 $0x4000, s14  }
0x32: {  	s31 =	sshrl.u32 s15, $0x2;
	s15 =	sadd.s32 $0x0, s16  }
0x33: {  	s17 =	simm.s32 $0x4;
	s18 =	sadd.s32 $0x40, s18;
	s14 =	sor.u32 $0x4000, s31;
	[tilespmem:s15+$0x1830 ss:$0x81] =	vst.msk $0xffff, v3  }
.LBB1_3:
0x34: {  	v3 =	vld [tilespmem:s18+$0x10];
	p1 =	sne.s32 s17, $0x1FC;
	[tilespmem:s15+$0x810 ss:$0x81] =	vst.msk $0xffff, v2;
	s19 =	smov.u32 s17;
	s17 =	sadd.s32 $0x4, s17  }
.Ltmp3:
0x35: {  	v2 =	vld [tilespmem:s18+$0xFFFFFFF0];
	[tilespmem:s15+$0x1020 ss:$0x81] =	vst.msk $0xffff, v0;
	(pc) =	sbr.rel @p1 .LBB1_3-.Ltmp3, $4  }
0x36: {  	v0 =	vld [tilespmem:s18+$0x0];
	[tilespmem:s15+$0x0 ss:$0x81] =	vst.msk $0xffff, v1  }
0x37: {  	s15 =	sshra.s32 s19, $0x2;
	v1 =	vld [tilespmem:s18+$0xFFFFFFE0]  }
0x38: {  	s15 =	sadd.s32 s15, s16  }
0x39: {  	s18 =	sadd.s32 $0x40, s18;
	[tilespmem:s15+$0x1830 ss:$0x81] =	vst.msk $0xffff, v3  }
.Ltmp4:
0x3a: {  	_ = 	snop;
	(pc) =	sbr.rel .LBB1_4-.Ltmp4, $1  }
0x3b: {  	_ =	sdelay $0x3  }
.LBB1_6:
0x3c: {  	_ =	sfence.sel $0x180000  }
0x3d: {  	s2 =	simm.s32 $0x1;
	[bflag:$0x0] =	sbarrier.arrive $0xFFFF  }
0x3e: {  	s31 =	simm.s32 $0x2;
	[sflag:s2] =	ssyncpa.u1 $0x1  }
0x3f: {  	[sflag:s31] =	ssyncpa.u1 $0x1  }
0x40: {  	p0 =	sne.s32 s0, $0x0;
	_ =	strace $0x9000004A  }
0x41: {  	s0 =	sadd.s32 @!p0 $0x100000, s1;
	[bflag:$0x2] =	sbarrier.arrive $0xFFFF  }
0x42: {  	[sflag:s0] =	ssyncadd.tile.s32 @!p0 $0x1;
	_ =	shalt  }
.Lfunc_end1:
_tile_overlayer_lowered:
.L_overlay_start_2:
0x43: {  	(tag) =	ssettag $0x2  }
0x44: {  	s0 =	rddreg [dreg:$0x0];
	s2 =	stileid.u32  }
0x45: {  	s1 =	rddreg [dreg:$0x1];
	p0 =	sne.s32 s2, $0x0  }
0x46: {  	s3 =	rddreg [dreg:$0x2];
	[bflag:$0x3] =	sbarrier.arrive $0xFFFF;
	s2 =	simm.s32 @!p0 $0x1C01  }
0x47: {  	[timem:s3], [sflag:s2] =	dma.local @!p0 [hbm:s0], s1  }
0x48: {  	s0 =	simm.s32 @!p0 $0x1  }
0x49: {  	_ =	swait.ge @!p0 [sflag:s0], s1  }
0x4a: {  	s1 =	ssub.s32 @!p0 $0x0, s1;
	[sflag:s0] =	ssyncset.done @!p0 $0x0  }
0x4b: {  	[sflag:s0] =	ssyncadd.s32 @!p0 s1  }
0x4c: {  	[bflag:$0x3] =	sbarrier.arrive $0xFFFF  }
0x4d: {  	_ =	shalt  }

</sc_bundles>
